<compile_context>
chip_gen: v7x
topology: tpu7x:2x2x1
jax: 0.10.2.dev20260603
libtpu: 0.0.44.dev20260713+nightly
codegen_flags: <defaults>
</compile_context>

<pallas_src>
import dataclasses
import functools

import jax
import jax.numpy as jnp
from jax import lax
from jax.experimental import pallas as pl
from jax.experimental.pallas import tpu as pltpu
from jax.experimental.pallas import tpu_sc as plsc

N = 100000
D = 128
B = 16384
NC = 2
NS = 16
L = 16

NCHUNK = 20
R = N // NCHUNK
KPC = NCHUNK // NC
DENSE_TILES = 5
ROWS_PER_TILE = R // DENSE_TILES
SCAN_PER_TILE = B // NS
NVEC = SCAN_PER_TILE // L
KB = 64
KBSH = KB.bit_length() - 1
MAXM = SCAN_PER_TILE + KB
NBROWS = MAXM // KB


def _sc_index_add(dst, src, idx):
  mesh = plsc.VectorSubcoreMesh(
      core_axis_name="c", subcore_axis_name="s",
      num_cores=NC, num_subcores=NS)
  cp = pltpu.CompilerParams()
  if "needs_layout_passes" in pltpu.CompilerParams.__dataclass_fields__:
    cp = dataclasses.replace(cp, needs_layout_passes=False)

  @functools.partial(
      pl.kernel,
      out_type=jax.ShapeDtypeStruct((N, D), jnp.float32),
      mesh=mesh,
      compiler_params=cp,
      scratch_types=[
          pltpu.VMEM_SHARED((R + L, D), jnp.float32),
          pltpu.VMEM_SHARED((R + L, D), jnp.float32),
          pltpu.VMEM((SCAN_PER_TILE,), jnp.int32),
          pltpu.VMEM((MAXM,), jnp.int32),
          pltpu.VMEM((MAXM,), jnp.int32),
          pltpu.VMEM((NBROWS, KB), jnp.int32),
          pltpu.VMEM((NBROWS, KB), jnp.int32),
          pltpu.VMEM((KB, D), jnp.float32),
          pltpu.VMEM((KB, D), jnp.float32),
          pltpu.SMEM((2,), jnp.int32),
          pltpu.SemaphoreType.DMA,
          pltpu.SemaphoreType.DMA,
          pltpu.SemaphoreType.DMA,
          pltpu.SemaphoreType.DMA,
          pltpu.SemaphoreType.DMA,
          pltpu.SemaphoreType.DMA,
      ],
  )
  def run(dst_hbm, src_hbm, idx_hbm, out_hbm,
          acc0, acc1, idxbuf, posA, posB, lidxA, lidxB, stgA, stgB, msc,
          lsem0, lsem1, ssem0, ssem1, gsemA, gsemB):
    core = lax.axis_index("c")
    sub = lax.axis_index("s")
    lanes = lax.iota(jnp.int32, L)
    ones = lanes >= 0

    def hbm_slc(k_local):
      base = (k_local * NC + core) * R
      return dst_hbm.at[pl.ds(base + sub * ROWS_PER_TILE, ROWS_PER_TILE)]

    def out_slc(k_local):
      base = (k_local * NC + core) * R
      return out_hbm.at[pl.ds(base + sub * ROWS_PER_TILE, ROWS_PER_TILE)]

    def acc_slc(acc):
      return acc.at[pl.ds(sub * ROWS_PER_TILE, ROWS_PER_TILE)]

    def load_issue(k_local, acc, sem):
      pltpu.async_copy(hbm_slc(k_local), acc_slc(acc), sem)

    def load_wait(k_local, acc, sem):
      pltpu.make_async_copy(hbm_slc(k_local), acc_slc(acc), sem).wait()

    def store_issue(k_local, acc, sem):
      pltpu.async_copy(acc_slc(acc), out_slc(k_local), sem)

    def store_wait(k_local, acc, sem):
      pltpu.make_async_copy(acc_slc(acc), out_slc(k_local), sem).wait()

    def scan_chunk(k_local, pos, lidx, stg, gsem, par):
      base = (k_local * NC + core) * R

      def scan_body(v, m_vec):
        vec = idxbuf[pl.ds(v * L, L)]
        rel = vec - base
        mask = rel.astype(jnp.uint32) < jnp.uint32(R)
        mi = mask.astype(jnp.int32)
        off = m_vec + plsc.cumsum(mi) - mi
        p = lanes + (sub * SCAN_PER_TILE + v * L)
        plsc.store_scatter(pos, [off], p, mask=mask)
        plsc.store_scatter(lidx, [off >> KBSH, off & (KB - 1)], rel,
                           mask=mask)
        return m_vec + plsc.all_reduce_population_count(mask)

      m_vec = lax.fori_loop(0, NVEC, scan_body, jnp.zeros((L,), jnp.int32),
                            unroll=4)
      m = jnp.max(m_vec)
      msc[par] = m

      @pl.loop(0, KB // L)
      def _pad(j):
        off_pad = m + lanes + j * L
        plsc.store_scatter(pos, [off_pad], lanes + j * L, mask=ones)
        plsc.store_scatter(lidx, [off_pad >> KBSH, off_pad & (KB - 1)],
                           lanes + R, mask=ones)

      pltpu.async_copy(src_hbm.at[pos.at[pl.ds(0, KB)]], stg, gsem)

    def add_phase(acc, pos, lidx, stg, gsem, par):
      pltpu.make_async_copy(src_hbm.at[pos.at[pl.ds(0, KB)]], stg,
                            gsem).wait()
      pltpu.sync_copy(stg, acc.at[lidx.at[0]], add=True)
      nb = (msc[par] + (KB - 1)) >> KBSH

      def batch_body(b, carry):
        pltpu.sync_copy(src_hbm.at[pos.at[pl.ds(b * KB, KB)]], stg)
        pltpu.sync_copy(stg, acc.at[lidx.at[b]], add=True)
        return carry

      lax.fori_loop(1, nb, batch_body, jnp.int32(0))

    sets = ((posA, lidxA, stgA, gsemA), (posB, lidxB, stgB, gsemB))

    def slot(k, acc, lsem, ssem, par):

      @pl.when(jnp.int32(k + 1) < KPC)
      def _prefetch():
        scan_chunk(k + 1, *sets[1 - par], 1 - par)

      @pl.when(sub < DENSE_TILES)
      def _w():
        load_wait(k, acc, lsem)
      plsc.subcore_barrier()
      add_phase(acc, *sets[par], par)
      plsc.subcore_barrier()

      @pl.when(sub < DENSE_TILES)
      def _s():
        store_issue(k, acc, ssem)

    @pl.when(sub < DENSE_TILES)
    def _prime():
      load_issue(0, acc0, lsem0)
      load_issue(1, acc1, lsem1)

    pltpu.sync_copy(idx_hbm.at[pl.ds(sub * SCAN_PER_TILE, SCAN_PER_TILE)],
                    idxbuf)
    scan_chunk(0, *sets[0], 0)

    @pl.loop(0, KPC // 2)
    def _pair(j):
      k0 = 2 * j
      k1 = 2 * j + 1
      slot(k0, acc0, lsem0, ssem0, 0)
      slot(k1, acc1, lsem1, ssem1, 1)

      @pl.when(jnp.logical_and(sub < DENSE_TILES, j < KPC // 2 - 1))
      def _reissue():
        store_wait(k0, acc0, ssem0)
        load_issue(k0 + 2, acc0, lsem0)
        store_wait(k1, acc1, ssem1)
        load_issue(k1 + 2, acc1, lsem1)

    @pl.when(sub < DENSE_TILES)
    def _drain():
      store_wait(KPC - 2, acc0, ssem0)
      store_wait(KPC - 1, acc1, ssem1)

  return run(dst, src, idx)


def kernel(dst_tensor, src_tensor, index_tensor):
  return _sc_index_add(dst_tensor, src_tensor,
                       index_tensor.astype(jnp.int32))

# --- scband reference (transcript-rebuilt; emitter-appended) ---
"""Pipeline reference for scband-index-add-op-8942121910632 (READ-ONLY COPY).

The authoritative reference and input builder live on the scoring server;
editing this copy changes nothing except your own understanding.
"""

import jax, jax.numpy as jnp
import numpy as np


def setup_inputs(seed: int = 0) -> dict:
    key = jax.random.key(seed)
    k1, k2, k3 = jax.random.split(key, 3)
    dst_tensor = jax.random.normal(k1, (100000, 128), dtype=jnp.float32)
    src_tensor = jax.random.normal(k2, (16384, 128), dtype=jnp.float32)
    index_tensor = jax.random.randint(k3, (16384,), 0, 100000, dtype=jnp.int64 if jax.config.jax_enable_x64 else jnp.int32)
    return {"dst_tensor": dst_tensor, "src_tensor": src_tensor, "index_tensor": index_tensor}


def reference(dst_tensor, src_tensor, index_tensor):
    # torch: dst_tensor.index_add_(0, index_tensor, src_tensor)
    # functional jax equivalent: scatter-add along axis 0
    return dst_tensor.at[index_tensor].add(src_tensor)

if __name__ == "__main__":
    import jax
    _d = setup_inputs()
    print(jax.jit(kernel)(*tuple(_d.values())))

</pallas_src>

<mosaic_0001>
#map = affine_map<(d0, d1) -> (0, 0)>
#map1 = affine_map<(d0, d1) -> (0)>
module attributes {stable_mosaic.version = 14 : i64} {
  func.func @run(%arg0: i32, %arg1: i32, %arg2: memref<100000x128xf32, #tpu.memory_space<hbm>>, %arg3: memref<16384x128xf32, #tpu.memory_space<hbm>>, %arg4: memref<16384xi32, #tpu.memory_space<hbm>>, %arg5: memref<100000x128xf32, #tpu.memory_space<hbm>>, %arg6: memref<5016x128xf32, #tpu.memory_space<vmem_shared>>, %arg7: memref<5016x128xf32, #tpu.memory_space<vmem_shared>>, %arg8: memref<1024xi32, #tpu.memory_space<vmem>>, %arg9: memref<1088xi32, #tpu.memory_space<vmem>>, %arg10: memref<1088xi32, #tpu.memory_space<vmem>>, %arg11: memref<17x64xi32, #tpu.memory_space<vmem>>, %arg12: memref<17x64xi32, #tpu.memory_space<vmem>>, %arg13: memref<64x128xf32, #tpu.memory_space<vmem>>, %arg14: memref<64x128xf32, #tpu.memory_space<vmem>>, %arg15: memref<2xi32, #tpu.memory_space<smem>>, %arg16: memref<!tpu.dma_semaphore, #tpu.memory_space<semaphore_mem>>, %arg17: memref<!tpu.dma_semaphore, #tpu.memory_space<semaphore_mem>>, %arg18: memref<!tpu.dma_semaphore, #tpu.memory_space<semaphore_mem>>, %arg19: memref<!tpu.dma_semaphore, #tpu.memory_space<semaphore_mem>>, %arg20: memref<!tpu.dma_semaphore, #tpu.memory_space<semaphore_mem>>, %arg21: memref<!tpu.dma_semaphore, #tpu.memory_space<semaphore_mem>>) attributes {dimension_semantics = [#tpu.dimension_semantics<core_parallel>, #tpu.dimension_semantics<subcore_parallel>], iteration_bounds = array<i64: 2, 16>, scalar_prefetch = 0 : i64, scratch_operands = 16 : i64, tpu.core_type = #tpu.core_type<sc_vector_subcore>, window_params = [{transform_indices = #map}, {transform_indices = #map}, {transform_indices = #map1}, {transform_indices = #map}]} {
    %iota3A = tpu.iota {dimensions = array<i32: 0>} : vector<16xi32>
    %ge3A = arith.constant 0 : i32
    %ge3A_0 = vector.broadcast %ge3A : i32 to vector<16xi32>
    %ge3A_1 = arith.cmpi sge, %iota3A, %ge3A_0 : vector<16xi32>
    %lt3A = arith.constant 5 : i32
    %lt3A_2 = arith.cmpi slt, %arg1, %lt3A : i32
    %convert_element_type3A = arith.extui %lt3A_2 : i1 to i32
    %cond3A = arith.constant 0 : i32
    %cond3A_3 = arith.cmpi ne, %convert_element_type3A, %cond3A : i32
    scf.if %cond3A_3 {
      %add3A_42 = arith.constant 0 : i32
      %add3A_43 = arith.addi %add3A_42, %arg0 : i32
      %mul3A_44 = arith.constant 5000 : i32
      %mul3A_45 = arith.muli %add3A_43, %mul3A_44 : i32
      %mul3A_46 = arith.constant 1000 : i32
      %mul3A_47 = arith.muli %arg1, %mul3A_46 : i32
      %add3A_48 = arith.addi %mul3A_45, %mul3A_47 : i32
      %mul3A_49 = arith.constant 1000 : i32
      %mul3A_50 = arith.muli %arg1, %mul3A_49 : i32
      %dma_start3A_51 = arith.constant 0 : i32
      %dma_start3A_52 = tpu.memref_slice %arg6[%mul3A_50, %dma_start3A_51] : memref<5016x128xf32, #tpu.memory_space<vmem_shared>> -> memref<1000x128xf32, #tpu.memory_space<vmem_shared>>
      %dma_start3A_53 = arith.constant 0 : i32
      %dma_start3A_54 = tpu.memref_slice %arg2[%add3A_48, %dma_start3A_53] : memref<100000x128xf32, #tpu.memory_space<hbm>> -> memref<1000x128xf32, #tpu.memory_space<hbm>>
      tpu.enqueue_dma source(%dma_start3A_54 : memref<1000x128xf32, #tpu.memory_space<hbm>>) target(%dma_start3A_52 : memref<1000x128xf32, #tpu.memory_space<vmem_shared>>) target_semaphore(%arg16 : memref<!tpu.dma_semaphore, #tpu.memory_space<semaphore_mem>>)
      %add3A_55 = arith.constant 2 : i32
      %add3A_56 = arith.addi %add3A_55, %arg0 : i32
      %mul3A_57 = arith.constant 5000 : i32
      %mul3A_58 = arith.muli %add3A_56, %mul3A_57 : i32
      %mul3A_59 = arith.constant 1000 : i32
      %mul3A_60 = arith.muli %arg1, %mul3A_59 : i32
      %add3A_61 = arith.addi %mul3A_58, %mul3A_60 : i32
      %mul3A_62 = arith.constant 1000 : i32
      %mul3A_63 = arith.muli %arg1, %mul3A_62 : i32
      %dma_start3A_64 = arith.constant 0 : i32
      %dma_start3A_65 = tpu.memref_slice %arg7[%mul3A_63, %dma_start3A_64] : memref<5016x128xf32, #tpu.memory_space<vmem_shared>> -> memref<1000x128xf32, #tpu.memory_space<vmem_shared>>
      %dma_start3A_66 = arith.constant 0 : i32
      %dma_start3A_67 = tpu.memref_slice %arg2[%add3A_61, %dma_start3A_66] : memref<100000x128xf32, #tpu.memory_space<hbm>> -> memref<1000x128xf32, #tpu.memory_space<hbm>>
      tpu.enqueue_dma source(%dma_start3A_67 : memref<1000x128xf32, #tpu.memory_space<hbm>>) target(%dma_start3A_65 : memref<1000x128xf32, #tpu.memory_space<vmem_shared>>) target_semaphore(%arg17 : memref<!tpu.dma_semaphore, #tpu.memory_space<semaphore_mem>>)
    } else {
    }
    %mul3A = arith.constant 1024 : i32
    %mul3A_4 = arith.muli %arg1, %mul3A : i32
    "tpu.region"() ({
      %run_scoped3A = tpu.sem_alloc : memref<!tpu.dma_semaphore, #tpu.memory_space<semaphore_mem>>
      %dma_start3A_42 = tpu.memref_slice %arg4[%mul3A_4] : memref<16384xi32, #tpu.memory_space<hbm>> -> memref<1024xi32, #tpu.memory_space<hbm>>
      %dma_start3A_43 = tpu.memref_slice %arg4[%mul3A_4] : memref<16384xi32, #tpu.memory_space<hbm>> -> memref<1024xi32, #tpu.memory_space<hbm>>
      tpu.enqueue_dma source(%dma_start3A_43 : memref<1024xi32, #tpu.memory_space<hbm>>) target(%arg8 : memref<1024xi32, #tpu.memory_space<vmem>>) target_semaphore(%run_scoped3A : memref<!tpu.dma_semaphore, #tpu.memory_space<semaphore_mem>>)
      %dma_wait3A = tpu.memref_slice %arg4[%mul3A_4] : memref<16384xi32, #tpu.memory_space<hbm>> -> memref<1024xi32, #tpu.memory_space<hbm>>
      %dma_wait3A_44 = tpu.memref_slice %arg4[%mul3A_4] : memref<16384xi32, #tpu.memory_space<hbm>> -> memref<1024xi32, #tpu.memory_space<hbm>>
      tpu.wait_dma2 semaphore(%run_scoped3A : memref<!tpu.dma_semaphore, #tpu.memory_space<semaphore_mem>>) src(%dma_wait3A_44 : memref<1024xi32, #tpu.memory_space<hbm>>) dst(%arg8 : memref<1024xi32, #tpu.memory_space<vmem>>)
      tpu.yield
    }) : () -> ()
    %add3A = arith.constant 0 : i32
    %add3A_5 = arith.addi %add3A, %arg0 : i32
    %mul3A_6 = arith.constant 5000 : i32
    %mul3A_7 = arith.muli %add3A_5, %mul3A_6 : i32
    %broadcast_in_dim3A = arith.constant 0 : i32
    %broadcast_in_dim3A_8 = vector.broadcast %broadcast_in_dim3A : i32 to vector<16xi32>
    %scan3A = arith.constant 0 : i32
    %scan3A_9 = arith.constant 64 : i32
    %scan3A_10 = arith.addi %scan3A, %scan3A_9 : i32
    %scan3A_11 = arith.constant 4 : i32
    %scan3A_12 = scf.for %scan3A_42 = %scan3A to %scan3A_10 step %scan3A_11 iter_args(%scan3A_43 = %broadcast_in_dim3A_8) -> (vector<16xi32>)  : i32 {
      %mul3A_44 = arith.constant 16 : i32
      %mul3A_45 = arith.muli %scan3A_42, %mul3A_44 : i32
      %get3A = arith.index_cast %mul3A_45 : i32 to index
      %get3A_46 = tpu.vector_load %arg8[%get3A] {strides = array<i32>} : memref<1024xi32, #tpu.memory_space<vmem>>, vector<16xi32>,
      %sub3A = vector.broadcast %mul3A_7 : i32 to vector<16xi32>
      %sub3A_47 = arith.subi %get3A_46, %sub3A : vector<16xi32>
      %lt3A_48 = arith.constant 5000 : i32
      %lt3A_49 = vector.broadcast %lt3A_48 : i32 to vector<16xi32>
      %lt3A_50 = arith.cmpi ult, %sub3A_47, %lt3A_49 : vector<16xi32>
      %convert_element_type3A_51 = arith.extui %lt3A_50 : vector<16xi1> to vector<16xi32>
      %broadcast_in_dim3A_52 = arith.constant true
      %broadcast_in_dim3A_53 = vector.broadcast %broadcast_in_dim3A_52 : i1 to vector<16xi1>
      %masked_cumsum3A = tpu.scan <sum>, %convert_element_type3A_51 masked %broadcast_in_dim3A_53 : vector<16xi32>, vector<16xi1> -> vector<16xi32>
      %add3A_54 = arith.addi %scan3A_43, %masked_cumsum3A : vector<16xi32>
      %sub3A_55 = arith.subi %add3A_54, %convert_element_type3A_51 : vector<16xi32>
      %mul3A_56 = arith.constant 1024 : i32
      %mul3A_57 = arith.muli %arg1, %mul3A_56 : i32
      %mul3A_58 = arith.constant 16 : i32
      %mul3A_59 = arith.muli %scan3A_42, %mul3A_58 : i32
      %add3A_60 = arith.addi %mul3A_57, %mul3A_59 : i32
      %add3A_61 = vector.broadcast %add3A_60 : i32 to vector<16xi32>
      %add3A_62 = arith.addi %iota3A, %add3A_61 : vector<16xi32>
      tpu.vector_store_idx %arg9[%sub3A_55], %add3A_62 masked %lt3A_50 : memref<1088xi32, #tpu.memory_space<vmem>>[vector<16xi32>], vector<16xi32>, vector<16xi1>
      %shift_right_arithmetic3A = arith.constant 6 : i32
      %shift_right_arithmetic3A_63 = vector.broadcast %shift_right_arithmetic3A : i32 to vector<16xi32>
      %shift_right_arithmetic3A_64 = arith.shrsi %sub3A_55, %shift_right_arithmetic3A_63 : vector<16xi32>
      %and3A = arith.constant 63 : i32
      %and3A_65 = vector.broadcast %and3A : i32 to vector<16xi32>
      %and3A_66 = arith.andi %sub3A_55, %and3A_65 : vector<16xi32>
      tpu.vector_store_idx %arg11[%shift_right_arithmetic3A_64, %and3A_66], %sub3A_47 masked %lt3A_50 : memref<17x64xi32, #tpu.memory_space<vmem>>[vector<16xi32>, vector<16xi32>], vector<16xi32>, vector<16xi1>
      %all_reduce_population_count3A = tpu.all_reduce %lt3A_50 {dim = 0 : i64, kind = #tpu.reduction_kind<sum>} : vector<16xi1> -> vector<16xi32>
      %add3A_67 = arith.addi %scan3A_43, %all_reduce_population_count3A : vector<16xi32>
      %scan3A_68 = arith.constant 1 : i32
      %scan3A_69 = arith.addi %scan3A_42, %scan3A_68 : i32
      %mul3A_70 = arith.constant 16 : i32
      %mul3A_71 = arith.muli %scan3A_69, %mul3A_70 : i32
      %get3A_72 = arith.index_cast %mul3A_71 : i32 to index
      %get3A_73 = tpu.vector_load %arg8[%get3A_72] {strides = array<i32>} : memref<1024xi32, #tpu.memory_space<vmem>>, vector<16xi32>,
      %sub3A_74 = vector.broadcast %mul3A_7 : i32 to vector<16xi32>
      %sub3A_75 = arith.subi %get3A_73, %sub3A_74 : vector<16xi32>
      %lt3A_76 = arith.constant 5000 : i32
      %lt3A_77 = vector.broadcast %lt3A_76 : i32 to vector<16xi32>
      %lt3A_78 = arith.cmpi ult, %sub3A_75, %lt3A_77 : vector<16xi32>
      %convert_element_type3A_79 = arith.extui %lt3A_78 : vector<16xi1> to vector<16xi32>
      %broadcast_in_dim3A_80 = arith.constant true
      %broadcast_in_dim3A_81 = vector.broadcast %broadcast_in_dim3A_80 : i1 to vector<16xi1>
      %masked_cumsum3A_82 = tpu.scan <sum>, %convert_element_type3A_79 masked %broadcast_in_dim3A_81 : vector<16xi32>, vector<16xi1> -> vector<16xi32>
      %add3A_83 = arith.addi %add3A_67, %masked_cumsum3A_82 : vector<16xi32>
      %sub3A_84 = arith.subi %add3A_83, %convert_element_type3A_79 : vector<16xi32>
      %mul3A_85 = arith.constant 1024 : i32
      %mul3A_86 = arith.muli %arg1, %mul3A_85 : i32
      %mul3A_87 = arith.constant 16 : i32
      %mul3A_88 = arith.muli %scan3A_69, %mul3A_87 : i32
      %add3A_89 = arith.addi %mul3A_86, %mul3A_88 : i32
      %add3A_90 = vector.broadcast %add3A_89 : i32 to vector<16xi32>
      %add3A_91 = arith.addi %iota3A, %add3A_90 : vector<16xi32>
      tpu.vector_store_idx %arg9[%sub3A_84], %add3A_91 masked %lt3A_78 : memref<1088xi32, #tpu.memory_space<vmem>>[vector<16xi32>], vector<16xi32>, vector<16xi1>
      %shift_right_arithmetic3A_92 = arith.constant 6 : i32
      %shift_right_arithmetic3A_93 = vector.broadcast %shift_right_arithmetic3A_92 : i32 to vector<16xi32>
      %shift_right_arithmetic3A_94 = arith.shrsi %sub3A_84, %shift_right_arithmetic3A_93 : vector<16xi32>
      %and3A_95 = arith.constant 63 : i32
      %and3A_96 = vector.broadcast %and3A_95 : i32 to vector<16xi32>
      %and3A_97 = arith.andi %sub3A_84, %and3A_96 : vector<16xi32>
      tpu.vector_store_idx %arg11[%shift_right_arithmetic3A_94, %and3A_97], %sub3A_75 masked %lt3A_78 : memref<17x64xi32, #tpu.memory_space<vmem>>[vector<16xi32>, vector<16xi32>], vector<16xi32>, vector<16xi1>
      %all_reduce_population_count3A_98 = tpu.all_reduce %lt3A_78 {dim = 0 : i64, kind = #tpu.reduction_kind<sum>} : vector<16xi1> -> vector<16xi32>
      %add3A_99 = arith.addi %add3A_67, %all_reduce_population_count3A_98 : vector<16xi32>
      %scan3A_100 = arith.constant 2 : i32
      %scan3A_101 = arith.addi %scan3A_42, %scan3A_100 : i32
      %mul3A_102 = arith.constant 16 : i32
      %mul3A_103 = arith.muli %scan3A_101, %mul3A_102 : i32
      %get3A_104 = arith.index_cast %mul3A_103 : i32 to index
      %get3A_105 = tpu.vector_load %arg8[%get3A_104] {strides = array<i32>} : memref<1024xi32, #tpu.memory_space<vmem>>, vector<16xi32>,
      %sub3A_106 = vector.broadcast %mul3A_7 : i32 to vector<16xi32>
      %sub3A_107 = arith.subi %get3A_105, %sub3A_106 : vector<16xi32>
      %lt3A_108 = arith.constant 5000 : i32
      %lt3A_109 = vector.broadcast %lt3A_108 : i32 to vector<16xi32>
      %lt3A_110 = arith.cmpi ult, %sub3A_107, %lt3A_109 : vector<16xi32>
      %convert_element_type3A_111 = arith.extui %lt3A_110 : vector<16xi1> to vector<16xi32>
      %broadcast_in_dim3A_112 = arith.constant true
      %broadcast_in_dim3A_113 = vector.broadcast %broadcast_in_dim3A_112 : i1 to vector<16xi1>
      %masked_cumsum3A_114 = tpu.scan <sum>, %convert_element_type3A_111 masked %broadcast_in_dim3A_113 : vector<16xi32>, vector<16xi1> -> vector<16xi32>
      %add3A_115 = arith.addi %add3A_99, %masked_cumsum3A_114 : vector<16xi32>
      %sub3A_116 = arith.subi %add3A_115, %convert_element_type3A_111 : vector<16xi32>
      %mul3A_117 = arith.constant 1024 : i32
      %mul3A_118 = arith.muli %arg1, %mul3A_117 : i32
      %mul3A_119 = arith.constant 16 : i32
      %mul3A_120 = arith.muli %scan3A_101, %mul3A_119 : i32
      %add3A_121 = arith.addi %mul3A_118, %mul3A_120 : i32
      %add3A_122 = vector.broadcast %add3A_121 : i32 to vector<16xi32>
      %add3A_123 = arith.addi %iota3A, %add3A_122 : vector<16xi32>
      tpu.vector_store_idx %arg9[%sub3A_116], %add3A_123 masked %lt3A_110 : memref<1088xi32, #tpu.memory_space<vmem>>[vector<16xi32>], vector<16xi32>, vector<16xi1>
      %shift_right_arithmetic3A_124 = arith.constant 6 : i32
      %shift_right_arithmetic3A_125 = vector.broadcast %shift_right_arithmetic3A_124 : i32 to vector<16xi32>
      %shift_right_arithmetic3A_126 = arith.shrsi %sub3A_116, %shift_right_arithmetic3A_125 : vector<16xi32>
      %and3A_127 = arith.constant 63 : i32
      %and3A_128 = vector.broadcast %and3A_127 : i32 to vector<16xi32>
      %and3A_129 = arith.andi %sub3A_116, %and3A_128 : vector<16xi32>
      tpu.vector_store_idx %arg11[%shift_right_arithmetic3A_126, %and3A_129], %sub3A_107 masked %lt3A_110 : memref<17x64xi32, #tpu.memory_space<vmem>>[vector<16xi32>, vector<16xi32>], vector<16xi32>, vector<16xi1>
      %all_reduce_population_count3A_130 = tpu.all_reduce %lt3A_110 {dim = 0 : i64, kind = #tpu.reduction_kind<sum>} : vector<16xi1> -> vector<16xi32>
      %add3A_131 = arith.addi %add3A_99, %all_reduce_population_count3A_130 : vector<16xi32>
      %scan3A_132 = arith.constant 3 : i32
      %scan3A_133 = arith.addi %scan3A_42, %scan3A_132 : i32
      %mul3A_134 = arith.constant 16 : i32
      %mul3A_135 = arith.muli %scan3A_133, %mul3A_134 : i32
      %get3A_136 = arith.index_cast %mul3A_135 : i32 to index
      %get3A_137 = tpu.vector_load %arg8[%get3A_136] {strides = array<i32>} : memref<1024xi32, #tpu.memory_space<vmem>>, vector<16xi32>,
      %sub3A_138 = vector.broadcast %mul3A_7 : i32 to vector<16xi32>
      %sub3A_139 = arith.subi %get3A_137, %sub3A_138 : vector<16xi32>
      %lt3A_140 = arith.constant 5000 : i32
      %lt3A_141 = vector.broadcast %lt3A_140 : i32 to vector<16xi32>
      %lt3A_142 = arith.cmpi ult, %sub3A_139, %lt3A_141 : vector<16xi32>
      %convert_element_type3A_143 = arith.extui %lt3A_142 : vector<16xi1> to vector<16xi32>
      %broadcast_in_dim3A_144 = arith.constant true
      %broadcast_in_dim3A_145 = vector.broadcast %broadcast_in_dim3A_144 : i1 to vector<16xi1>
      %masked_cumsum3A_146 = tpu.scan <sum>, %convert_element_type3A_143 masked %broadcast_in_dim3A_145 : vector<16xi32>, vector<16xi1> -> vector<16xi32>
      %add3A_147 = arith.addi %add3A_131, %masked_cumsum3A_146 : vector<16xi32>
      %sub3A_148 = arith.subi %add3A_147, %convert_element_type3A_143 : vector<16xi32>
      %mul3A_149 = arith.constant 1024 : i32
      %mul3A_150 = arith.muli %arg1, %mul3A_149 : i32
      %mul3A_151 = arith.constant 16 : i32
      %mul3A_152 = arith.muli %scan3A_133, %mul3A_151 : i32
      %add3A_153 = arith.addi %mul3A_150, %mul3A_152 : i32
      %add3A_154 = vector.broadcast %add3A_153 : i32 to vector<16xi32>
      %add3A_155 = arith.addi %iota3A, %add3A_154 : vector<16xi32>
      tpu.vector_store_idx %arg9[%sub3A_148], %add3A_155 masked %lt3A_142 : memref<1088xi32, #tpu.memory_space<vmem>>[vector<16xi32>], vector<16xi32>, vector<16xi1>
      %shift_right_arithmetic3A_156 = arith.constant 6 : i32
      %shift_right_arithmetic3A_157 = vector.broadcast %shift_right_arithmetic3A_156 : i32 to vector<16xi32>
      %shift_right_arithmetic3A_158 = arith.shrsi %sub3A_148, %shift_right_arithmetic3A_157 : vector<16xi32>
      %and3A_159 = arith.constant 63 : i32
      %and3A_160 = vector.broadcast %and3A_159 : i32 to vector<16xi32>
      %and3A_161 = arith.andi %sub3A_148, %and3A_160 : vector<16xi32>
      tpu.vector_store_idx %arg11[%shift_right_arithmetic3A_158, %and3A_161], %sub3A_139 masked %lt3A_142 : memref<17x64xi32, #tpu.memory_space<vmem>>[vector<16xi32>, vector<16xi32>], vector<16xi32>, vector<16xi1>
      %all_reduce_population_count3A_162 = tpu.all_reduce %lt3A_142 {dim = 0 : i64, kind = #tpu.reduction_kind<sum>} : vector<16xi1> -> vector<16xi32>
      %add3A_163 = arith.addi %add3A_131, %all_reduce_population_count3A_162 : vector<16xi32>
      scf.yield %add3A_163 : vector<16xi32>
    }
    %scan3A_13 = arith.constant 64 : i32
    %reduce_max3A = arith.constant true
    %reduce_max3A_14 = vector.broadcast %reduce_max3A : i1 to vector<16xi1>
    %reduce_max3A_15 = arith.constant -2147483648 : i32
    %reduce_max3A_16 = vector.broadcast %reduce_max3A_15 : i32 to vector<16xi32>
    %reduce_max3A_17 = arith.xori %scan3A_12, %reduce_max3A_16 : vector<16xi32>
    %reduce_max3A_18 = tpu.scan <max>, %reduce_max3A_17 masked %reduce_max3A_14 : vector<16xi32>, vector<16xi1> -> vector<16xi32>
    %reduce_max3A_19 = arith.xori %reduce_max3A_18, %reduce_max3A_16 : vector<16xi32>
    %reduce_max3A_20 = vector.extract %reduce_max3A_19[15] : i32 from vector<16xi32>
    %swap3A = arith.constant 0 : i32
    %swap3A_21 = arith.index_cast %swap3A : i32 to index
    %swap3A_22 = memref.load %arg15[%swap3A_21] : memref<2xi32, #tpu.memory_space<smem>>
    memref.store %reduce_max3A_20, %arg15[%swap3A_21] : memref<2xi32, #tpu.memory_space<smem>>
    %scan3A_23 = arith.constant 0 : i32
    %scan3A_24 = arith.constant 4 : i32
    %scan3A_25 = arith.addi %scan3A_23, %scan3A_24 : i32
    %scan3A_26 = arith.constant 1 : i32
    scf.for %scan3A_42 = %scan3A_23 to %scan3A_25 step %scan3A_26  : i32 {
      %mul3A_43 = arith.constant 1 : i32
      %mul3A_44 = arith.muli %scan3A_42, %mul3A_43 : i32
      %add3A_45 = arith.constant 0 : i32
      %add3A_46 = arith.addi %add3A_45, %mul3A_44 : i32
      %add3A_47 = vector.broadcast %reduce_max3A_20 : i32 to vector<16xi32>
      %add3A_48 = arith.addi %add3A_47, %iota3A : vector<16xi32>
      %mul3A_49 = arith.constant 16 : i32
      %mul3A_50 = arith.muli %add3A_46, %mul3A_49 : i32
      %add3A_51 = vector.broadcast %mul3A_50 : i32 to vector<16xi32>
      %add3A_52 = arith.addi %add3A_48, %add3A_51 : vector<16xi32>
      %mul3A_53 = arith.constant 16 : i32
      %mul3A_54 = arith.muli %add3A_46, %mul3A_53 : i32
      %add3A_55 = vector.broadcast %mul3A_54 : i32 to vector<16xi32>
      %add3A_56 = arith.addi %iota3A, %add3A_55 : vector<16xi32>
      tpu.vector_store_idx %arg9[%add3A_52], %add3A_56 masked %ge3A_1 : memref<1088xi32, #tpu.memory_space<vmem>>[vector<16xi32>], vector<16xi32>, vector<16xi1>
      %shift_right_arithmetic3A = arith.constant 6 : i32
      %shift_right_arithmetic3A_57 = vector.broadcast %shift_right_arithmetic3A : i32 to vector<16xi32>
      %shift_right_arithmetic3A_58 = arith.shrsi %add3A_52, %shift_right_arithmetic3A_57 : vector<16xi32>
      %and3A = arith.constant 63 : i32
      %and3A_59 = vector.broadcast %and3A : i32 to vector<16xi32>
      %and3A_60 = arith.andi %add3A_52, %and3A_59 : vector<16xi32>
      %add3A_61 = arith.constant 5000 : i32
      %add3A_62 = vector.broadcast %add3A_61 : i32 to vector<16xi32>
      %add3A_63 = arith.addi %iota3A, %add3A_62 : vector<16xi32>
      tpu.vector_store_idx %arg11[%shift_right_arithmetic3A_58, %and3A_60], %add3A_63 masked %ge3A_1 : memref<17x64xi32, #tpu.memory_space<vmem>>[vector<16xi32>, vector<16xi32>], vector<16xi32>, vector<16xi1>
    }
    %scan3A_27 = arith.constant 4 : i32
    %dma_start3A = arith.constant 0 : i32
    %dma_start3A_28 = tpu.memref_slice %arg9[%dma_start3A] : memref<1088xi32, #tpu.memory_space<vmem>> -> memref<64xi32, #tpu.memory_space<vmem>>
    %dma_start3A_29 = arith.constant 0 : i32
    %dma_start3A_30 = arith.constant 0 : i32
    %dma_start3A_31 = tpu.memref_slice %arg3[%dma_start3A_29, %dma_start3A_30] : memref<16384x128xf32, #tpu.memory_space<hbm>> -> memref<16384x128xf32, #tpu.memory_space<hbm>>
    tpu.enqueue_indirect_dma source(%dma_start3A_31 : memref<16384x128xf32, #tpu.memory_space<hbm>>) target(%arg13 : memref<64x128xf32, #tpu.memory_space<vmem>>) offsets(%dma_start3A_28 : memref<64xi32, #tpu.memory_space<vmem>>) semaphore(%arg20 : memref<!tpu.dma_semaphore, #tpu.memory_space<semaphore_mem>>)
    %scan3A_32 = arith.constant 0 : i32
    %scan3A_33 = arith.constant 5 : i32
    %scan3A_34 = arith.addi %scan3A_32, %scan3A_33 : i32
    %scan3A_35 = arith.constant 1 : i32
    scf.for %scan3A_42 = %scan3A_32 to %scan3A_34 step %scan3A_35  : i32 {
      %mul3A_43 = arith.constant 1 : i32
      %mul3A_44 = arith.muli %scan3A_42, %mul3A_43 : i32
      %add3A_45 = arith.constant 0 : i32
      %add3A_46 = arith.addi %add3A_45, %mul3A_44 : i32
      %mul3A_47 = arith.constant 2 : i32
      %mul3A_48 = arith.muli %mul3A_47, %add3A_46 : i32
      %mul3A_49 = arith.constant 2 : i32
      %mul3A_50 = arith.muli %mul3A_49, %add3A_46 : i32
      %add3A_51 = arith.constant 1 : i32
      %add3A_52 = arith.addi %mul3A_50, %add3A_51 : i32
      %add3A_53 = arith.constant 1 : i32
      %add3A_54 = arith.addi %mul3A_48, %add3A_53 : i32
      %lt3A_55 = arith.constant 10 : i32
      %lt3A_56 = arith.cmpi slt, %add3A_54, %lt3A_55 : i32
      %convert_element_type3A_57 = arith.extui %lt3A_56 : i1 to i32
      %cond3A_58 = arith.constant 0 : i32
      %cond3A_59 = arith.cmpi ne, %convert_element_type3A_57, %cond3A_58 : i32
      scf.if %cond3A_59 {
        %add3A_138 = arith.constant 1 : i32
        %add3A_139 = arith.addi %mul3A_48, %add3A_138 : i32
        %mul3A_140 = arith.constant 2 : i32
        %mul3A_141 = arith.muli %add3A_139, %mul3A_140 : i32
        %add3A_142 = arith.addi %mul3A_141, %arg0 : i32
        %mul3A_143 = arith.constant 5000 : i32
        %mul3A_144 = arith.muli %add3A_142, %mul3A_143 : i32
        %broadcast_in_dim3A_145 = arith.constant 0 : i32
        %broadcast_in_dim3A_146 = vector.broadcast %broadcast_in_dim3A_145 : i32 to vector<16xi32>
        %scan3A_147 = arith.constant 0 : i32
        %scan3A_148 = arith.constant 64 : i32
        %scan3A_149 = arith.addi %scan3A_147, %scan3A_148 : i32
        %scan3A_150 = arith.constant 4 : i32
        %scan3A_151 = scf.for %scan3A_174 = %scan3A_147 to %scan3A_149 step %scan3A_150 iter_args(%scan3A_175 = %broadcast_in_dim3A_146) -> (vector<16xi32>)  : i32 {
          %mul3A_176 = arith.constant 16 : i32
          %mul3A_177 = arith.muli %scan3A_174, %mul3A_176 : i32
          %get3A_178 = arith.index_cast %mul3A_177 : i32 to index
          %get3A_179 = tpu.vector_load %arg8[%get3A_178] {strides = array<i32>} : memref<1024xi32, #tpu.memory_space<vmem>>, vector<16xi32>,
          %sub3A = vector.broadcast %mul3A_144 : i32 to vector<16xi32>
          %sub3A_180 = arith.subi %get3A_179, %sub3A : vector<16xi32>
          %lt3A_181 = arith.constant 5000 : i32
          %lt3A_182 = vector.broadcast %lt3A_181 : i32 to vector<16xi32>
          %lt3A_183 = arith.cmpi ult, %sub3A_180, %lt3A_182 : vector<16xi32>
          %convert_element_type3A_184 = arith.extui %lt3A_183 : vector<16xi1> to vector<16xi32>
          %broadcast_in_dim3A_185 = arith.constant true
          %broadcast_in_dim3A_186 = vector.broadcast %broadcast_in_dim3A_185 : i1 to vector<16xi1>
          %masked_cumsum3A = tpu.scan <sum>, %convert_element_type3A_184 masked %broadcast_in_dim3A_186 : vector<16xi32>, vector<16xi1> -> vector<16xi32>
          %add3A_187 = arith.addi %scan3A_175, %masked_cumsum3A : vector<16xi32>
          %sub3A_188 = arith.subi %add3A_187, %convert_element_type3A_184 : vector<16xi32>
          %mul3A_189 = arith.constant 1024 : i32
          %mul3A_190 = arith.muli %arg1, %mul3A_189 : i32
          %mul3A_191 = arith.constant 16 : i32
          %mul3A_192 = arith.muli %scan3A_174, %mul3A_191 : i32
          %add3A_193 = arith.addi %mul3A_190, %mul3A_192 : i32
          %add3A_194 = vector.broadcast %add3A_193 : i32 to vector<16xi32>
          %add3A_195 = arith.addi %iota3A, %add3A_194 : vector<16xi32>
          tpu.vector_store_idx %arg10[%sub3A_188], %add3A_195 masked %lt3A_183 : memref<1088xi32, #tpu.memory_space<vmem>>[vector<16xi32>], vector<16xi32>, vector<16xi1>
          %shift_right_arithmetic3A_196 = arith.constant 6 : i32
          %shift_right_arithmetic3A_197 = vector.broadcast %shift_right_arithmetic3A_196 : i32 to vector<16xi32>
          %shift_right_arithmetic3A_198 = arith.shrsi %sub3A_188, %shift_right_arithmetic3A_197 : vector<16xi32>
          %and3A_199 = arith.constant 63 : i32
          %and3A_200 = vector.broadcast %and3A_199 : i32 to vector<16xi32>
          %and3A_201 = arith.andi %sub3A_188, %and3A_200 : vector<16xi32>
          tpu.vector_store_idx %arg12[%shift_right_arithmetic3A_198, %and3A_201], %sub3A_180 masked %lt3A_183 : memref<17x64xi32, #tpu.memory_space<vmem>>[vector<16xi32>, vector<16xi32>], vector<16xi32>, vector<16xi1>
          %all_reduce_population_count3A = tpu.all_reduce %lt3A_183 {dim = 0 : i64, kind = #tpu.reduction_kind<sum>} : vector<16xi1> -> vector<16xi32>
          %add3A_202 = arith.addi %scan3A_175, %all_reduce_population_count3A : vector<16xi32>
          %scan3A_203 = arith.constant 1 : i32
          %scan3A_204 = arith.addi %scan3A_174, %scan3A_203 : i32
          %mul3A_205 = arith.constant 16 : i32
          %mul3A_206 = arith.muli %scan3A_204, %mul3A_205 : i32
          %get3A_207 = arith.index_cast %mul3A_206 : i32 to index
          %get3A_208 = tpu.vector_load %arg8[%get3A_207] {strides = array<i32>} : memref<1024xi32, #tpu.memory_space<vmem>>, vector<16xi32>,
          %sub3A_209 = vector.broadcast %mul3A_144 : i32 to vector<16xi32>
          %sub3A_210 = arith.subi %get3A_208, %sub3A_209 : vector<16xi32>
          %lt3A_211 = arith.constant 5000 : i32
          %lt3A_212 = vector.broadcast %lt3A_211 : i32 to vector<16xi32>
          %lt3A_213 = arith.cmpi ult, %sub3A_210, %lt3A_212 : vector<16xi32>
          %convert_element_type3A_214 = arith.extui %lt3A_213 : vector<16xi1> to vector<16xi32>
          %broadcast_in_dim3A_215 = arith.constant true
          %broadcast_in_dim3A_216 = vector.broadcast %broadcast_in_dim3A_215 : i1 to vector<16xi1>
          %masked_cumsum3A_217 = tpu.scan <sum>, %convert_element_type3A_214 masked %broadcast_in_dim3A_216 : vector<16xi32>, vector<16xi1> -> vector<16xi32>
          %add3A_218 = arith.addi %add3A_202, %masked_cumsum3A_217 : vector<16xi32>
          %sub3A_219 = arith.subi %add3A_218, %convert_element_type3A_214 : vector<16xi32>
          %mul3A_220 = arith.constant 1024 : i32
          %mul3A_221 = arith.muli %arg1, %mul3A_220 : i32
          %mul3A_222 = arith.constant 16 : i32
          %mul3A_223 = arith.muli %scan3A_204, %mul3A_222 : i32
          %add3A_224 = arith.addi %mul3A_221, %mul3A_223 : i32
          %add3A_225 = vector.broadcast %add3A_224 : i32 to vector<16xi32>
          %add3A_226 = arith.addi %iota3A, %add3A_225 : vector<16xi32>
          tpu.vector_store_idx %arg10[%sub3A_219], %add3A_226 masked %lt3A_213 : memref<1088xi32, #tpu.memory_space<vmem>>[vector<16xi32>], vector<16xi32>, vector<16xi1>
          %shift_right_arithmetic3A_227 = arith.constant 6 : i32
          %shift_right_arithmetic3A_228 = vector.broadcast %shift_right_arithmetic3A_227 : i32 to vector<16xi32>
          %shift_right_arithmetic3A_229 = arith.shrsi %sub3A_219, %shift_right_arithmetic3A_228 : vector<16xi32>
          %and3A_230 = arith.constant 63 : i32
          %and3A_231 = vector.broadcast %and3A_230 : i32 to vector<16xi32>
          %and3A_232 = arith.andi %sub3A_219, %and3A_231 : vector<16xi32>
          tpu.vector_store_idx %arg12[%shift_right_arithmetic3A_229, %and3A_232], %sub3A_210 masked %lt3A_213 : memref<17x64xi32, #tpu.memory_space<vmem>>[vector<16xi32>, vector<16xi32>], vector<16xi32>, vector<16xi1>
          %all_reduce_population_count3A_233 = tpu.all_reduce %lt3A_213 {dim = 0 : i64, kind = #tpu.reduction_kind<sum>} : vector<16xi1> -> vector<16xi32>
          %add3A_234 = arith.addi %add3A_202, %all_reduce_population_count3A_233 : vector<16xi32>
          %scan3A_235 = arith.constant 2 : i32
          %scan3A_236 = arith.addi %scan3A_174, %scan3A_235 : i32
          %mul3A_237 = arith.constant 16 : i32
          %mul3A_238 = arith.muli %scan3A_236, %mul3A_237 : i32
          %get3A_239 = arith.index_cast %mul3A_238 : i32 to index
          %get3A_240 = tpu.vector_load %arg8[%get3A_239] {strides = array<i32>} : memref<1024xi32, #tpu.memory_space<vmem>>, vector<16xi32>,
          %sub3A_241 = vector.broadcast %mul3A_144 : i32 to vector<16xi32>
          %sub3A_242 = arith.subi %get3A_240, %sub3A_241 : vector<16xi32>
          %lt3A_243 = arith.constant 5000 : i32
          %lt3A_244 = vector.broadcast %lt3A_243 : i32 to vector<16xi32>
          %lt3A_245 = arith.cmpi ult, %sub3A_242, %lt3A_244 : vector<16xi32>
          %convert_element_type3A_246 = arith.extui %lt3A_245 : vector<16xi1> to vector<16xi32>
          %broadcast_in_dim3A_247 = arith.constant true
          %broadcast_in_dim3A_248 = vector.broadcast %broadcast_in_dim3A_247 : i1 to vector<16xi1>
          %masked_cumsum3A_249 = tpu.scan <sum>, %convert_element_type3A_246 masked %broadcast_in_dim3A_248 : vector<16xi32>, vector<16xi1> -> vector<16xi32>
          %add3A_250 = arith.addi %add3A_234, %masked_cumsum3A_249 : vector<16xi32>
          %sub3A_251 = arith.subi %add3A_250, %convert_element_type3A_246 : vector<16xi32>
          %mul3A_252 = arith.constant 1024 : i32
          %mul3A_253 = arith.muli %arg1, %mul3A_252 : i32
          %mul3A_254 = arith.constant 16 : i32
          %mul3A_255 = arith.muli %scan3A_236, %mul3A_254 : i32
          %add3A_256 = arith.addi %mul3A_253, %mul3A_255 : i32
          %add3A_257 = vector.broadcast %add3A_256 : i32 to vector<16xi32>
          %add3A_258 = arith.addi %iota3A, %add3A_257 : vector<16xi32>
          tpu.vector_store_idx %arg10[%sub3A_251], %add3A_258 masked %lt3A_245 : memref<1088xi32, #tpu.memory_space<vmem>>[vector<16xi32>], vector<16xi32>, vector<16xi1>
          %shift_right_arithmetic3A_259 = arith.constant 6 : i32
          %shift_right_arithmetic3A_260 = vector.broadcast %shift_right_arithmetic3A_259 : i32 to vector<16xi32>
          %shift_right_arithmetic3A_261 = arith.shrsi %sub3A_251, %shift_right_arithmetic3A_260 : vector<16xi32>
          %and3A_262 = arith.constant 63 : i32
          %and3A_263 = vector.broadcast %and3A_262 : i32 to vector<16xi32>
          %and3A_264 = arith.andi %sub3A_251, %and3A_263 : vector<16xi32>
          tpu.vector_store_idx %arg12[%shift_right_arithmetic3A_261, %and3A_264], %sub3A_242 masked %lt3A_245 : memref<17x64xi32, #tpu.memory_space<vmem>>[vector<16xi32>, vector<16xi32>], vector<16xi32>, vector<16xi1>
          %all_reduce_population_count3A_265 = tpu.all_reduce %lt3A_245 {dim = 0 : i64, kind = #tpu.reduction_kind<sum>} : vector<16xi1> -> vector<16xi32>
          %add3A_266 = arith.addi %add3A_234, %all_reduce_population_count3A_265 : vector<16xi32>
          %scan3A_267 = arith.constant 3 : i32
          %scan3A_268 = arith.addi %scan3A_174, %scan3A_267 : i32
          %mul3A_269 = arith.constant 16 : i32
          %mul3A_270 = arith.muli %scan3A_268, %mul3A_269 : i32
          %get3A_271 = arith.index_cast %mul3A_270 : i32 to index
          %get3A_272 = tpu.vector_load %arg8[%get3A_271] {strides = array<i32>} : memref<1024xi32, #tpu.memory_space<vmem>>, vector<16xi32>,
          %sub3A_273 = vector.broadcast %mul3A_144 : i32 to vector<16xi32>
          %sub3A_274 = arith.subi %get3A_272, %sub3A_273 : vector<16xi32>
          %lt3A_275 = arith.constant 5000 : i32
          %lt3A_276 = vector.broadcast %lt3A_275 : i32 to vector<16xi32>
          %lt3A_277 = arith.cmpi ult, %sub3A_274, %lt3A_276 : vector<16xi32>
          %convert_element_type3A_278 = arith.extui %lt3A_277 : vector<16xi1> to vector<16xi32>
          %broadcast_in_dim3A_279 = arith.constant true
          %broadcast_in_dim3A_280 = vector.broadcast %broadcast_in_dim3A_279 : i1 to vector<16xi1>
          %masked_cumsum3A_281 = tpu.scan <sum>, %convert_element_type3A_278 masked %broadcast_in_dim3A_280 : vector<16xi32>, vector<16xi1> -> vector<16xi32>
          %add3A_282 = arith.addi %add3A_266, %masked_cumsum3A_281 : vector<16xi32>
          %sub3A_283 = arith.subi %add3A_282, %convert_element_type3A_278 : vector<16xi32>
          %mul3A_284 = arith.constant 1024 : i32
          %mul3A_285 = arith.muli %arg1, %mul3A_284 : i32
          %mul3A_286 = arith.constant 16 : i32
          %mul3A_287 = arith.muli %scan3A_268, %mul3A_286 : i32
          %add3A_288 = arith.addi %mul3A_285, %mul3A_287 : i32
          %add3A_289 = vector.broadcast %add3A_288 : i32 to vector<16xi32>
          %add3A_290 = arith.addi %iota3A, %add3A_289 : vector<16xi32>
          tpu.vector_store_idx %arg10[%sub3A_283], %add3A_290 masked %lt3A_277 : memref<1088xi32, #tpu.memory_space<vmem>>[vector<16xi32>], vector<16xi32>, vector<16xi1>
          %shift_right_arithmetic3A_291 = arith.constant 6 : i32
          %shift_right_arithmetic3A_292 = vector.broadcast %shift_right_arithmetic3A_291 : i32 to vector<16xi32>
          %shift_right_arithmetic3A_293 = arith.shrsi %sub3A_283, %shift_right_arithmetic3A_292 : vector<16xi32>
          %and3A_294 = arith.constant 63 : i32
          %and3A_295 = vector.broadcast %and3A_294 : i32 to vector<16xi32>
          %and3A_296 = arith.andi %sub3A_283, %and3A_295 : vector<16xi32>
          tpu.vector_store_idx %arg12[%shift_right_arithmetic3A_293, %and3A_296], %sub3A_274 masked %lt3A_277 : memref<17x64xi32, #tpu.memory_space<vmem>>[vector<16xi32>, vector<16xi32>], vector<16xi32>, vector<16xi1>
          %all_reduce_population_count3A_297 = tpu.all_reduce %lt3A_277 {dim = 0 : i64, kind = #tpu.reduction_kind<sum>} : vector<16xi1> -> vector<16xi32>
          %add3A_298 = arith.addi %add3A_266, %all_reduce_population_count3A_297 : vector<16xi32>
          scf.yield %add3A_298 : vector<16xi32>
        }
        %scan3A_152 = arith.constant 64 : i32
        %reduce_max3A_153 = arith.constant true
        %reduce_max3A_154 = vector.broadcast %reduce_max3A_153 : i1 to vector<16xi1>
        %reduce_max3A_155 = arith.constant -2147483648 : i32
        %reduce_max3A_156 = vector.broadcast %reduce_max3A_155 : i32 to vector<16xi32>
        %reduce_max3A_157 = arith.xori %scan3A_151, %reduce_max3A_156 : vector<16xi32>
        %reduce_max3A_158 = tpu.scan <max>, %reduce_max3A_157 masked %reduce_max3A_154 : vector<16xi32>, vector<16xi1> -> vector<16xi32>
        %reduce_max3A_159 = arith.xori %reduce_max3A_158, %reduce_max3A_156 : vector<16xi32>
        %reduce_max3A_160 = vector.extract %reduce_max3A_159[15] : i32 from vector<16xi32>
        %swap3A_161 = arith.constant 1 : i32
        %swap3A_162 = arith.index_cast %swap3A_161 : i32 to index
        %swap3A_163 = memref.load %arg15[%swap3A_162] : memref<2xi32, #tpu.memory_space<smem>>
        memref.store %reduce_max3A_160, %arg15[%swap3A_162] : memref<2xi32, #tpu.memory_space<smem>>
        %scan3A_164 = arith.constant 0 : i32
        %scan3A_165 = arith.constant 4 : i32
        %scan3A_166 = arith.addi %scan3A_164, %scan3A_165 : i32
        %scan3A_167 = arith.constant 1 : i32
        scf.for %scan3A_174 = %scan3A_164 to %scan3A_166 step %scan3A_167  : i32 {
          %mul3A_175 = arith.constant 1 : i32
          %mul3A_176 = arith.muli %scan3A_174, %mul3A_175 : i32
          %add3A_177 = arith.constant 0 : i32
          %add3A_178 = arith.addi %add3A_177, %mul3A_176 : i32
          %add3A_179 = vector.broadcast %reduce_max3A_160 : i32 to vector<16xi32>
          %add3A_180 = arith.addi %add3A_179, %iota3A : vector<16xi32>
          %mul3A_181 = arith.constant 16 : i32
          %mul3A_182 = arith.muli %add3A_178, %mul3A_181 : i32
          %add3A_183 = vector.broadcast %mul3A_182 : i32 to vector<16xi32>
          %add3A_184 = arith.addi %add3A_180, %add3A_183 : vector<16xi32>
          %mul3A_185 = arith.constant 16 : i32
          %mul3A_186 = arith.muli %add3A_178, %mul3A_185 : i32
          %add3A_187 = vector.broadcast %mul3A_186 : i32 to vector<16xi32>
          %add3A_188 = arith.addi %iota3A, %add3A_187 : vector<16xi32>
          tpu.vector_store_idx %arg10[%add3A_184], %add3A_188 masked %ge3A_1 : memref<1088xi32, #tpu.memory_space<vmem>>[vector<16xi32>], vector<16xi32>, vector<16xi1>
          %shift_right_arithmetic3A_189 = arith.constant 6 : i32
          %shift_right_arithmetic3A_190 = vector.broadcast %shift_right_arithmetic3A_189 : i32 to vector<16xi32>
          %shift_right_arithmetic3A_191 = arith.shrsi %add3A_184, %shift_right_arithmetic3A_190 : vector<16xi32>
          %and3A_192 = arith.constant 63 : i32
          %and3A_193 = vector.broadcast %and3A_192 : i32 to vector<16xi32>
          %and3A_194 = arith.andi %add3A_184, %and3A_193 : vector<16xi32>
          %add3A_195 = arith.constant 5000 : i32
          %add3A_196 = vector.broadcast %add3A_195 : i32 to vector<16xi32>
          %add3A_197 = arith.addi %iota3A, %add3A_196 : vector<16xi32>
          tpu.vector_store_idx %arg12[%shift_right_arithmetic3A_191, %and3A_194], %add3A_197 masked %ge3A_1 : memref<17x64xi32, #tpu.memory_space<vmem>>[vector<16xi32>, vector<16xi32>], vector<16xi32>, vector<16xi1>
        }
        %scan3A_168 = arith.constant 4 : i32
        %dma_start3A_169 = arith.constant 0 : i32
        %dma_start3A_170 = tpu.memref_slice %arg10[%dma_start3A_169] : memref<1088xi32, #tpu.memory_space<vmem>> -> memref<64xi32, #tpu.memory_space<vmem>>
        %dma_start3A_171 = arith.constant 0 : i32
        %dma_start3A_172 = arith.constant 0 : i32
        %dma_start3A_173 = tpu.memref_slice %arg3[%dma_start3A_171, %dma_start3A_172] : memref<16384x128xf32, #tpu.memory_space<hbm>> -> memref<16384x128xf32, #tpu.memory_space<hbm>>
        tpu.enqueue_indirect_dma source(%dma_start3A_173 : memref<16384x128xf32, #tpu.memory_space<hbm>>) target(%arg14 : memref<64x128xf32, #tpu.memory_space<vmem>>) offsets(%dma_start3A_170 : memref<64xi32, #tpu.memory_space<vmem>>) semaphore(%arg21 : memref<!tpu.dma_semaphore, #tpu.memory_space<semaphore_mem>>)
      } else {
      }
      %lt3A_60 = arith.constant 5 : i32
      %lt3A_61 = arith.cmpi slt, %arg1, %lt3A_60 : i32
      %convert_element_type3A_62 = arith.extui %lt3A_61 : i1 to i32
      %cond3A_63 = arith.constant 0 : i32
      %cond3A_64 = arith.cmpi ne, %convert_element_type3A_62, %cond3A_63 : i32
      scf.if %cond3A_64 {
        %mul3A_138 = arith.constant 2 : i32
        %mul3A_139 = arith.muli %mul3A_48, %mul3A_138 : i32
        %add3A_140 = arith.addi %mul3A_139, %arg0 : i32
        %mul3A_141 = arith.constant 5000 : i32
        %mul3A_142 = arith.muli %add3A_140, %mul3A_141 : i32
        %mul3A_143 = arith.constant 1000 : i32
        %mul3A_144 = arith.muli %arg1, %mul3A_143 : i32
        %add3A_145 = arith.addi %mul3A_142, %mul3A_144 : i32
        %mul3A_146 = arith.constant 1000 : i32
        %mul3A_147 = arith.muli %arg1, %mul3A_146 : i32
        %dma_wait3A_148 = arith.constant 0 : i32
        %dma_wait3A_149 = tpu.memref_slice %arg6[%mul3A_147, %dma_wait3A_148] : memref<5016x128xf32, #tpu.memory_space<vmem_shared>> -> memref<1000x128xf32, #tpu.memory_space<vmem_shared>>
        %dma_wait3A_150 = arith.constant 0 : i32
        %dma_wait3A_151 = tpu.memref_slice %arg2[%add3A_145, %dma_wait3A_150] : memref<100000x128xf32, #tpu.memory_space<hbm>> -> memref<1000x128xf32, #tpu.memory_space<hbm>>
        tpu.wait_dma2 semaphore(%arg16 : memref<!tpu.dma_semaphore, #tpu.memory_space<semaphore_mem>>) src(%dma_wait3A_151 : memref<1000x128xf32, #tpu.memory_space<hbm>>) dst(%dma_wait3A_149 : memref<1000x128xf32, #tpu.memory_space<vmem_shared>>)
      } else {
      }
      %barrier3A = arith.constant 0 : index
      tpu.barrier barrier_id(%barrier3A)
      %dma_wait3A = arith.constant 0 : i32
      %dma_wait3A_65 = tpu.memref_slice %arg9[%dma_wait3A] : memref<1088xi32, #tpu.memory_space<vmem>> -> memref<64xi32, #tpu.memory_space<vmem>>
      %dma_wait3A_66 = arith.constant 0 : i32
      %dma_wait3A_67 = arith.constant 0 : i32
      %dma_wait3A_68 = tpu.memref_slice %arg3[%dma_wait3A_66, %dma_wait3A_67] : memref<16384x128xf32, #tpu.memory_space<hbm>> -> memref<16384x128xf32, #tpu.memory_space<hbm>>
      tpu.wait_indirect_dma semaphore(%arg20 : memref<!tpu.dma_semaphore, #tpu.memory_space<semaphore_mem>>) src(%dma_wait3A_68 : memref<16384x128xf32, #tpu.memory_space<hbm>>) dst(%arg13 : memref<64x128xf32, #tpu.memory_space<vmem>>)
      %run_scoped3A = arith.constant 0 : i32
      "tpu.region"() ({
        %run_scoped3A_138 = tpu.sem_alloc : memref<!tpu.dma_semaphore, #tpu.memory_space<semaphore_mem>>
        %dma_start3A_139 = arith.constant 0 : i32
        %dma_start3A_140 = tpu.memref_slice %arg11[%run_scoped3A, %dma_start3A_139] : memref<17x64xi32, #tpu.memory_space<vmem>> -> memref<1x64xi32, #tpu.memory_space<vmem>>
        %dma_start3A_141 = tpu.memref_squeeze %dma_start3A_140 : memref<1x64xi32, #tpu.memory_space<vmem>> -> memref<64xi32, #tpu.memory_space<vmem>>
        %dma_start3A_142 = arith.constant 0 : i32
        %dma_start3A_143 = arith.constant 0 : i32
        %dma_start3A_144 = tpu.memref_slice %arg6[%dma_start3A_142, %dma_start3A_143] : memref<5016x128xf32, #tpu.memory_space<vmem_shared>> -> memref<5016x128xf32, #tpu.memory_space<vmem_shared>>
        tpu.enqueue_indirect_dma source(%arg13 : memref<64x128xf32, #tpu.memory_space<vmem>>) target(%dma_start3A_144 : memref<5016x128xf32, #tpu.memory_space<vmem_shared>>) offsets(%dma_start3A_141 : memref<64xi32, #tpu.memory_space<vmem>>) semaphore(%run_scoped3A_138 : memref<!tpu.dma_semaphore, #tpu.memory_space<semaphore_mem>>) {add = true}
        %dma_wait3A_145 = arith.constant 0 : i32
        %dma_wait3A_146 = tpu.memref_slice %arg11[%run_scoped3A, %dma_wait3A_145] : memref<17x64xi32, #tpu.memory_space<vmem>> -> memref<1x64xi32, #tpu.memory_space<vmem>>
        %dma_wait3A_147 = tpu.memref_squeeze %dma_wait3A_146 : memref<1x64xi32, #tpu.memory_space<vmem>> -> memref<64xi32, #tpu.memory_space<vmem>>
        %dma_wait3A_148 = arith.constant 0 : i32
        %dma_wait3A_149 = arith.constant 0 : i32
        %dma_wait3A_150 = tpu.memref_slice %arg6[%dma_wait3A_148, %dma_wait3A_149] : memref<5016x128xf32, #tpu.memory_space<vmem_shared>> -> memref<5016x128xf32, #tpu.memory_space<vmem_shared>>
        tpu.wait_indirect_dma semaphore(%run_scoped3A_138 : memref<!tpu.dma_semaphore, #tpu.memory_space<semaphore_mem>>) src(%arg13 : memref<64x128xf32, #tpu.memory_space<vmem>>) dst(%dma_wait3A_150 : memref<5016x128xf32, #tpu.memory_space<vmem_shared>>)
        tpu.yield
      }) : () -> ()
      %get3A = arith.constant 0 : i32
      %get3A_69 = arith.index_cast %get3A : i32 to index
      %get3A_70 = memref.load %arg15[%get3A_69] : memref<2xi32, #tpu.memory_space<smem>>
      %add3A_71 = arith.constant 63 : i32
      %add3A_72 = arith.addi %get3A_70, %add3A_71 : i32
      %shift_right_arithmetic3A = arith.constant 6 : i32
      %shift_right_arithmetic3A_73 = arith.shrsi %add3A_72, %shift_right_arithmetic3A : i32
      %while3A = arith.constant 0 : i32
      %while3A_74 = arith.constant 1 : i32
      %while3A_75 = arith.subi %shift_right_arithmetic3A_73, %while3A_74 : i32
      %while3A_76 = arith.addi %while3A_74, %while3A_75 : i32
      %while3A_77 = arith.constant 1 : i32
      %while3A_78 = arith.divsi %while3A_75, %while3A_77 : i32
      %while3A_79 = arith.muli %while3A_78, %while3A_77 : i32
      %while3A_80 = arith.addi %while3A_74, %while3A_79 : i32
      %while3A_81 = arith.constant 1 : i32
      scf.for %while3A_138 = %while3A_74 to %while3A_80 step %while3A_81  : i32 {
        %mul3A_139 = arith.constant 64 : i32
        %mul3A_140 = arith.muli %while3A_138, %mul3A_139 : i32
        "tpu.region"() ({
          %run_scoped3A_141 = tpu.sem_alloc : memref<!tpu.dma_semaphore, #tpu.memory_space<semaphore_mem>>
          %dma_start3A_142 = tpu.memref_slice %arg9[%mul3A_140] : memref<1088xi32, #tpu.memory_space<vmem>> -> memref<64xi32, #tpu.memory_space<vmem>>
          %dma_start3A_143 = arith.constant 0 : i32
          %dma_start3A_144 = arith.constant 0 : i32
          %dma_start3A_145 = tpu.memref_slice %arg3[%dma_start3A_143, %dma_start3A_144] : memref<16384x128xf32, #tpu.memory_space<hbm>> -> memref<16384x128xf32, #tpu.memory_space<hbm>>
          tpu.enqueue_indirect_dma source(%dma_start3A_145 : memref<16384x128xf32, #tpu.memory_space<hbm>>) target(%arg13 : memref<64x128xf32, #tpu.memory_space<vmem>>) offsets(%dma_start3A_142 : memref<64xi32, #tpu.memory_space<vmem>>) semaphore(%run_scoped3A_141 : memref<!tpu.dma_semaphore, #tpu.memory_space<semaphore_mem>>)
          %dma_wait3A_146 = tpu.memref_slice %arg9[%mul3A_140] : memref<1088xi32, #tpu.memory_space<vmem>> -> memref<64xi32, #tpu.memory_space<vmem>>
          %dma_wait3A_147 = arith.constant 0 : i32
          %dma_wait3A_148 = arith.constant 0 : i32
          %dma_wait3A_149 = tpu.memref_slice %arg3[%dma_wait3A_147, %dma_wait3A_148] : memref<16384x128xf32, #tpu.memory_space<hbm>> -> memref<16384x128xf32, #tpu.memory_space<hbm>>
          tpu.wait_indirect_dma semaphore(%run_scoped3A_141 : memref<!tpu.dma_semaphore, #tpu.memory_space<semaphore_mem>>) src(%dma_wait3A_149 : memref<16384x128xf32, #tpu.memory_space<hbm>>) dst(%arg13 : memref<64x128xf32, #tpu.memory_space<vmem>>)
          tpu.yield
        }) : () -> ()
        "tpu.region"() ({
          %run_scoped3A_141 = tpu.sem_alloc : memref<!tpu.dma_semaphore, #tpu.memory_space<semaphore_mem>>
          %dma_start3A_142 = arith.constant 0 : i32
          %dma_start3A_143 = tpu.memref_slice %arg11[%while3A_138, %dma_start3A_142] : memref<17x64xi32, #tpu.memory_space<vmem>> -> memref<1x64xi32, #tpu.memory_space<vmem>>
          %dma_start3A_144 = tpu.memref_squeeze %dma_start3A_143 : memref<1x64xi32, #tpu.memory_space<vmem>> -> memref<64xi32, #tpu.memory_space<vmem>>
          %dma_start3A_145 = arith.constant 0 : i32
          %dma_start3A_146 = arith.constant 0 : i32
          %dma_start3A_147 = tpu.memref_slice %arg6[%dma_start3A_145, %dma_start3A_146] : memref<5016x128xf32, #tpu.memory_space<vmem_shared>> -> memref<5016x128xf32, #tpu.memory_space<vmem_shared>>
          tpu.enqueue_indirect_dma source(%arg13 : memref<64x128xf32, #tpu.memory_space<vmem>>) target(%dma_start3A_147 : memref<5016x128xf32, #tpu.memory_space<vmem_shared>>) offsets(%dma_start3A_144 : memref<64xi32, #tpu.memory_space<vmem>>) semaphore(%run_scoped3A_141 : memref<!tpu.dma_semaphore, #tpu.memory_space<semaphore_mem>>) {add = true}
          %dma_wait3A_148 = arith.constant 0 : i32
          %dma_wait3A_149 = tpu.memref_slice %arg11[%while3A_138, %dma_wait3A_148] : memref<17x64xi32, #tpu.memory_space<vmem>> -> memref<1x64xi32, #tpu.memory_space<vmem>>
          %dma_wait3A_150 = tpu.memref_squeeze %dma_wait3A_149 : memref<1x64xi32, #tpu.memory_space<vmem>> -> memref<64xi32, #tpu.memory_space<vmem>>
          %dma_wait3A_151 = arith.constant 0 : i32
          %dma_wait3A_152 = arith.constant 0 : i32
          %dma_wait3A_153 = tpu.memref_slice %arg6[%dma_wait3A_151, %dma_wait3A_152] : memref<5016x128xf32, #tpu.memory_space<vmem_shared>> -> memref<5016x128xf32, #tpu.memory_space<vmem_shared>>
          tpu.wait_indirect_dma semaphore(%run_scoped3A_141 : memref<!tpu.dma_semaphore, #tpu.memory_space<semaphore_mem>>) src(%arg13 : memref<64x128xf32, #tpu.memory_space<vmem>>) dst(%dma_wait3A_153 : memref<5016x128xf32, #tpu.memory_space<vmem_shared>>)
          tpu.yield
        }) : () -> ()
      }
      %while3A_82 = arith.constant 1 : i32
      scf.for %while3A_138 = %while3A_80 to %while3A_76 step %while3A_82  : i32 {
        %mul3A_139 = arith.constant 64 : i32
        %mul3A_140 = arith.muli %while3A_138, %mul3A_139 : i32
        "tpu.region"() ({
          %run_scoped3A_141 = tpu.sem_alloc : memref<!tpu.dma_semaphore, #tpu.memory_space<semaphore_mem>>
          %dma_start3A_142 = tpu.memref_slice %arg9[%mul3A_140] : memref<1088xi32, #tpu.memory_space<vmem>> -> memref<64xi32, #tpu.memory_space<vmem>>
          %dma_start3A_143 = arith.constant 0 : i32
          %dma_start3A_144 = arith.constant 0 : i32
          %dma_start3A_145 = tpu.memref_slice %arg3[%dma_start3A_143, %dma_start3A_144] : memref<16384x128xf32, #tpu.memory_space<hbm>> -> memref<16384x128xf32, #tpu.memory_space<hbm>>
          tpu.enqueue_indirect_dma source(%dma_start3A_145 : memref<16384x128xf32, #tpu.memory_space<hbm>>) target(%arg13 : memref<64x128xf32, #tpu.memory_space<vmem>>) offsets(%dma_start3A_142 : memref<64xi32, #tpu.memory_space<vmem>>) semaphore(%run_scoped3A_141 : memref<!tpu.dma_semaphore, #tpu.memory_space<semaphore_mem>>)
          %dma_wait3A_146 = tpu.memref_slice %arg9[%mul3A_140] : memref<1088xi32, #tpu.memory_space<vmem>> -> memref<64xi32, #tpu.memory_space<vmem>>
          %dma_wait3A_147 = arith.constant 0 : i32
          %dma_wait3A_148 = arith.constant 0 : i32
          %dma_wait3A_149 = tpu.memref_slice %arg3[%dma_wait3A_147, %dma_wait3A_148] : memref<16384x128xf32, #tpu.memory_space<hbm>> -> memref<16384x128xf32, #tpu.memory_space<hbm>>
          tpu.wait_indirect_dma semaphore(%run_scoped3A_141 : memref<!tpu.dma_semaphore, #tpu.memory_space<semaphore_mem>>) src(%dma_wait3A_149 : memref<16384x128xf32, #tpu.memory_space<hbm>>) dst(%arg13 : memref<64x128xf32, #tpu.memory_space<vmem>>)
          tpu.yield
        }) : () -> ()
        "tpu.region"() ({
          %run_scoped3A_141 = tpu.sem_alloc : memref<!tpu.dma_semaphore, #tpu.memory_space<semaphore_mem>>
          %dma_start3A_142 = arith.constant 0 : i32
          %dma_start3A_143 = tpu.memref_slice %arg11[%while3A_138, %dma_start3A_142] : memref<17x64xi32, #tpu.memory_space<vmem>> -> memref<1x64xi32, #tpu.memory_space<vmem>>
          %dma_start3A_144 = tpu.memref_squeeze %dma_start3A_143 : memref<1x64xi32, #tpu.memory_space<vmem>> -> memref<64xi32, #tpu.memory_space<vmem>>
          %dma_start3A_145 = arith.constant 0 : i32
          %dma_start3A_146 = arith.constant 0 : i32
          %dma_start3A_147 = tpu.memref_slice %arg6[%dma_start3A_145, %dma_start3A_146] : memref<5016x128xf32, #tpu.memory_space<vmem_shared>> -> memref<5016x128xf32, #tpu.memory_space<vmem_shared>>
          tpu.enqueue_indirect_dma source(%arg13 : memref<64x128xf32, #tpu.memory_space<vmem>>) target(%dma_start3A_147 : memref<5016x128xf32, #tpu.memory_space<vmem_shared>>) offsets(%dma_start3A_144 : memref<64xi32, #tpu.memory_space<vmem>>) semaphore(%run_scoped3A_141 : memref<!tpu.dma_semaphore, #tpu.memory_space<semaphore_mem>>) {add = true}
          %dma_wait3A_148 = arith.constant 0 : i32
          %dma_wait3A_149 = tpu.memref_slice %arg11[%while3A_138, %dma_wait3A_148] : memref<17x64xi32, #tpu.memory_space<vmem>> -> memref<1x64xi32, #tpu.memory_space<vmem>>
          %dma_wait3A_150 = tpu.memref_squeeze %dma_wait3A_149 : memref<1x64xi32, #tpu.memory_space<vmem>> -> memref<64xi32, #tpu.memory_space<vmem>>
          %dma_wait3A_151 = arith.constant 0 : i32
          %dma_wait3A_152 = arith.constant 0 : i32
          %dma_wait3A_153 = tpu.memref_slice %arg6[%dma_wait3A_151, %dma_wait3A_152] : memref<5016x128xf32, #tpu.memory_space<vmem_shared>> -> memref<5016x128xf32, #tpu.memory_space<vmem_shared>>
          tpu.wait_indirect_dma semaphore(%run_scoped3A_141 : memref<!tpu.dma_semaphore, #tpu.memory_space<semaphore_mem>>) src(%arg13 : memref<64x128xf32, #tpu.memory_space<vmem>>) dst(%dma_wait3A_153 : memref<5016x128xf32, #tpu.memory_space<vmem_shared>>)
          tpu.yield
        }) : () -> ()
      }
      %barrier3A_83 = arith.constant 0 : index
      tpu.barrier barrier_id(%barrier3A_83)
      %lt3A_84 = arith.constant 5 : i32
      %lt3A_85 = arith.cmpi slt, %arg1, %lt3A_84 : i32
      %convert_element_type3A_86 = arith.extui %lt3A_85 : i1 to i32
      %cond3A_87 = arith.constant 0 : i32
      %cond3A_88 = arith.cmpi ne, %convert_element_type3A_86, %cond3A_87 : i32
      scf.if %cond3A_88 {
        %mul3A_138 = arith.constant 1000 : i32
        %mul3A_139 = arith.muli %arg1, %mul3A_138 : i32
        %mul3A_140 = arith.constant 2 : i32
        %mul3A_141 = arith.muli %mul3A_48, %mul3A_140 : i32
        %add3A_142 = arith.addi %mul3A_141, %arg0 : i32
        %mul3A_143 = arith.constant 5000 : i32
        %mul3A_144 = arith.muli %add3A_142, %mul3A_143 : i32
        %mul3A_145 = arith.constant 1000 : i32
        %mul3A_146 = arith.muli %arg1, %mul3A_145 : i32
        %add3A_147 = arith.addi %mul3A_144, %mul3A_146 : i32
        %dma_start3A_148 = arith.constant 0 : i32
        %dma_start3A_149 = tpu.memref_slice %arg5[%add3A_147, %dma_start3A_148] : memref<100000x128xf32, #tpu.memory_space<hbm>> -> memref<1000x128xf32, #tpu.memory_space<hbm>>
        %dma_start3A_150 = arith.constant 0 : i32
        %dma_start3A_151 = tpu.memref_slice %arg6[%mul3A_139, %dma_start3A_150] : memref<5016x128xf32, #tpu.memory_space<vmem_shared>> -> memref<1000x128xf32, #tpu.memory_space<vmem_shared>>
        tpu.enqueue_dma source(%dma_start3A_151 : memref<1000x128xf32, #tpu.memory_space<vmem_shared>>) target(%dma_start3A_149 : memref<1000x128xf32, #tpu.memory_space<hbm>>) target_semaphore(%arg18 : memref<!tpu.dma_semaphore, #tpu.memory_space<semaphore_mem>>)
      } else {
      }
      %add3A_89 = arith.constant 1 : i32
      %add3A_90 = arith.addi %add3A_52, %add3A_89 : i32
      %lt3A_91 = arith.constant 10 : i32
      %lt3A_92 = arith.cmpi slt, %add3A_90, %lt3A_91 : i32
      %convert_element_type3A_93 = arith.extui %lt3A_92 : i1 to i32
      %cond3A_94 = arith.constant 0 : i32
      %cond3A_95 = arith.cmpi ne, %convert_element_type3A_93, %cond3A_94 : i32
      scf.if %cond3A_95 {
        %add3A_138 = arith.constant 1 : i32
        %add3A_139 = arith.addi %add3A_52, %add3A_138 : i32
        %mul3A_140 = arith.constant 2 : i32
        %mul3A_141 = arith.muli %add3A_139, %mul3A_140 : i32
        %add3A_142 = arith.addi %mul3A_141, %arg0 : i32
        %mul3A_143 = arith.constant 5000 : i32
        %mul3A_144 = arith.muli %add3A_142, %mul3A_143 : i32
        %broadcast_in_dim3A_145 = arith.constant 0 : i32
        %broadcast_in_dim3A_146 = vector.broadcast %broadcast_in_dim3A_145 : i32 to vector<16xi32>
        %scan3A_147 = arith.constant 0 : i32
        %scan3A_148 = arith.constant 64 : i32
        %scan3A_149 = arith.addi %scan3A_147, %scan3A_148 : i32
        %scan3A_150 = arith.constant 4 : i32
        %scan3A_151 = scf.for %scan3A_174 = %scan3A_147 to %scan3A_149 step %scan3A_150 iter_args(%scan3A_175 = %broadcast_in_dim3A_146) -> (vector<16xi32>)  : i32 {
          %mul3A_176 = arith.constant 16 : i32
          %mul3A_177 = arith.muli %scan3A_174, %mul3A_176 : i32
          %get3A_178 = arith.index_cast %mul3A_177 : i32 to index
          %get3A_179 = tpu.vector_load %arg8[%get3A_178] {strides = array<i32>} : memref<1024xi32, #tpu.memory_space<vmem>>, vector<16xi32>,
          %sub3A = vector.broadcast %mul3A_144 : i32 to vector<16xi32>
          %sub3A_180 = arith.subi %get3A_179, %sub3A : vector<16xi32>
          %lt3A_181 = arith.constant 5000 : i32
          %lt3A_182 = vector.broadcast %lt3A_181 : i32 to vector<16xi32>
          %lt3A_183 = arith.cmpi ult, %sub3A_180, %lt3A_182 : vector<16xi32>
          %convert_element_type3A_184 = arith.extui %lt3A_183 : vector<16xi1> to vector<16xi32>
          %broadcast_in_dim3A_185 = arith.constant true
          %broadcast_in_dim3A_186 = vector.broadcast %broadcast_in_dim3A_185 : i1 to vector<16xi1>
          %masked_cumsum3A = tpu.scan <sum>, %convert_element_type3A_184 masked %broadcast_in_dim3A_186 : vector<16xi32>, vector<16xi1> -> vector<16xi32>
          %add3A_187 = arith.addi %scan3A_175, %masked_cumsum3A : vector<16xi32>
          %sub3A_188 = arith.subi %add3A_187, %convert_element_type3A_184 : vector<16xi32>
          %mul3A_189 = arith.constant 1024 : i32
          %mul3A_190 = arith.muli %arg1, %mul3A_189 : i32
          %mul3A_191 = arith.constant 16 : i32
          %mul3A_192 = arith.muli %scan3A_174, %mul3A_191 : i32
          %add3A_193 = arith.addi %mul3A_190, %mul3A_192 : i32
          %add3A_194 = vector.broadcast %add3A_193 : i32 to vector<16xi32>
          %add3A_195 = arith.addi %iota3A, %add3A_194 : vector<16xi32>
          tpu.vector_store_idx %arg9[%sub3A_188], %add3A_195 masked %lt3A_183 : memref<1088xi32, #tpu.memory_space<vmem>>[vector<16xi32>], vector<16xi32>, vector<16xi1>
          %shift_right_arithmetic3A_196 = arith.constant 6 : i32
          %shift_right_arithmetic3A_197 = vector.broadcast %shift_right_arithmetic3A_196 : i32 to vector<16xi32>
          %shift_right_arithmetic3A_198 = arith.shrsi %sub3A_188, %shift_right_arithmetic3A_197 : vector<16xi32>
          %and3A_199 = arith.constant 63 : i32
          %and3A_200 = vector.broadcast %and3A_199 : i32 to vector<16xi32>
          %and3A_201 = arith.andi %sub3A_188, %and3A_200 : vector<16xi32>
          tpu.vector_store_idx %arg11[%shift_right_arithmetic3A_198, %and3A_201], %sub3A_180 masked %lt3A_183 : memref<17x64xi32, #tpu.memory_space<vmem>>[vector<16xi32>, vector<16xi32>], vector<16xi32>, vector<16xi1>
          %all_reduce_population_count3A = tpu.all_reduce %lt3A_183 {dim = 0 : i64, kind = #tpu.reduction_kind<sum>} : vector<16xi1> -> vector<16xi32>
          %add3A_202 = arith.addi %scan3A_175, %all_reduce_population_count3A : vector<16xi32>
          %scan3A_203 = arith.constant 1 : i32
          %scan3A_204 = arith.addi %scan3A_174, %scan3A_203 : i32
          %mul3A_205 = arith.constant 16 : i32
          %mul3A_206 = arith.muli %scan3A_204, %mul3A_205 : i32
          %get3A_207 = arith.index_cast %mul3A_206 : i32 to index
          %get3A_208 = tpu.vector_load %arg8[%get3A_207] {strides = array<i32>} : memref<1024xi32, #tpu.memory_space<vmem>>, vector<16xi32>,
          %sub3A_209 = vector.broadcast %mul3A_144 : i32 to vector<16xi32>
          %sub3A_210 = arith.subi %get3A_208, %sub3A_209 : vector<16xi32>
          %lt3A_211 = arith.constant 5000 : i32
          %lt3A_212 = vector.broadcast %lt3A_211 : i32 to vector<16xi32>
          %lt3A_213 = arith.cmpi ult, %sub3A_210, %lt3A_212 : vector<16xi32>
          %convert_element_type3A_214 = arith.extui %lt3A_213 : vector<16xi1> to vector<16xi32>
          %broadcast_in_dim3A_215 = arith.constant true
          %broadcast_in_dim3A_216 = vector.broadcast %broadcast_in_dim3A_215 : i1 to vector<16xi1>
          %masked_cumsum3A_217 = tpu.scan <sum>, %convert_element_type3A_214 masked %broadcast_in_dim3A_216 : vector<16xi32>, vector<16xi1> -> vector<16xi32>
          %add3A_218 = arith.addi %add3A_202, %masked_cumsum3A_217 : vector<16xi32>
          %sub3A_219 = arith.subi %add3A_218, %convert_element_type3A_214 : vector<16xi32>
          %mul3A_220 = arith.constant 1024 : i32
          %mul3A_221 = arith.muli %arg1, %mul3A_220 : i32
          %mul3A_222 = arith.constant 16 : i32
          %mul3A_223 = arith.muli %scan3A_204, %mul3A_222 : i32
          %add3A_224 = arith.addi %mul3A_221, %mul3A_223 : i32
          %add3A_225 = vector.broadcast %add3A_224 : i32 to vector<16xi32>
          %add3A_226 = arith.addi %iota3A, %add3A_225 : vector<16xi32>
          tpu.vector_store_idx %arg9[%sub3A_219], %add3A_226 masked %lt3A_213 : memref<1088xi32, #tpu.memory_space<vmem>>[vector<16xi32>], vector<16xi32>, vector<16xi1>
          %shift_right_arithmetic3A_227 = arith.constant 6 : i32
          %shift_right_arithmetic3A_228 = vector.broadcast %shift_right_arithmetic3A_227 : i32 to vector<16xi32>
          %shift_right_arithmetic3A_229 = arith.shrsi %sub3A_219, %shift_right_arithmetic3A_228 : vector<16xi32>
          %and3A_230 = arith.constant 63 : i32
          %and3A_231 = vector.broadcast %and3A_230 : i32 to vector<16xi32>
          %and3A_232 = arith.andi %sub3A_219, %and3A_231 : vector<16xi32>
          tpu.vector_store_idx %arg11[%shift_right_arithmetic3A_229, %and3A_232], %sub3A_210 masked %lt3A_213 : memref<17x64xi32, #tpu.memory_space<vmem>>[vector<16xi32>, vector<16xi32>], vector<16xi32>, vector<16xi1>
          %all_reduce_population_count3A_233 = tpu.all_reduce %lt3A_213 {dim = 0 : i64, kind = #tpu.reduction_kind<sum>} : vector<16xi1> -> vector<16xi32>
          %add3A_234 = arith.addi %add3A_202, %all_reduce_population_count3A_233 : vector<16xi32>
          %scan3A_235 = arith.constant 2 : i32
          %scan3A_236 = arith.addi %scan3A_174, %scan3A_235 : i32
          %mul3A_237 = arith.constant 16 : i32
          %mul3A_238 = arith.muli %scan3A_236, %mul3A_237 : i32
          %get3A_239 = arith.index_cast %mul3A_238 : i32 to index
          %get3A_240 = tpu.vector_load %arg8[%get3A_239] {strides = array<i32>} : memref<1024xi32, #tpu.memory_space<vmem>>, vector<16xi32>,
          %sub3A_241 = vector.broadcast %mul3A_144 : i32 to vector<16xi32>
          %sub3A_242 = arith.subi %get3A_240, %sub3A_241 : vector<16xi32>
          %lt3A_243 = arith.constant 5000 : i32
          %lt3A_244 = vector.broadcast %lt3A_243 : i32 to vector<16xi32>
          %lt3A_245 = arith.cmpi ult, %sub3A_242, %lt3A_244 : vector<16xi32>
          %convert_element_type3A_246 = arith.extui %lt3A_245 : vector<16xi1> to vector<16xi32>
          %broadcast_in_dim3A_247 = arith.constant true
          %broadcast_in_dim3A_248 = vector.broadcast %broadcast_in_dim3A_247 : i1 to vector<16xi1>
          %masked_cumsum3A_249 = tpu.scan <sum>, %convert_element_type3A_246 masked %broadcast_in_dim3A_248 : vector<16xi32>, vector<16xi1> -> vector<16xi32>
          %add3A_250 = arith.addi %add3A_234, %masked_cumsum3A_249 : vector<16xi32>
          %sub3A_251 = arith.subi %add3A_250, %convert_element_type3A_246 : vector<16xi32>
          %mul3A_252 = arith.constant 1024 : i32
          %mul3A_253 = arith.muli %arg1, %mul3A_252 : i32
          %mul3A_254 = arith.constant 16 : i32
          %mul3A_255 = arith.muli %scan3A_236, %mul3A_254 : i32
          %add3A_256 = arith.addi %mul3A_253, %mul3A_255 : i32
          %add3A_257 = vector.broadcast %add3A_256 : i32 to vector<16xi32>
          %add3A_258 = arith.addi %iota3A, %add3A_257 : vector<16xi32>
          tpu.vector_store_idx %arg9[%sub3A_251], %add3A_258 masked %lt3A_245 : memref<1088xi32, #tpu.memory_space<vmem>>[vector<16xi32>], vector<16xi32>, vector<16xi1>
          %shift_right_arithmetic3A_259 = arith.constant 6 : i32
          %shift_right_arithmetic3A_260 = vector.broadcast %shift_right_arithmetic3A_259 : i32 to vector<16xi32>
          %shift_right_arithmetic3A_261 = arith.shrsi %sub3A_251, %shift_right_arithmetic3A_260 : vector<16xi32>
          %and3A_262 = arith.constant 63 : i32
          %and3A_263 = vector.broadcast %and3A_262 : i32 to vector<16xi32>
          %and3A_264 = arith.andi %sub3A_251, %and3A_263 : vector<16xi32>
          tpu.vector_store_idx %arg11[%shift_right_arithmetic3A_261, %and3A_264], %sub3A_242 masked %lt3A_245 : memref<17x64xi32, #tpu.memory_space<vmem>>[vector<16xi32>, vector<16xi32>], vector<16xi32>, vector<16xi1>
          %all_reduce_population_count3A_265 = tpu.all_reduce %lt3A_245 {dim = 0 : i64, kind = #tpu.reduction_kind<sum>} : vector<16xi1> -> vector<16xi32>
          %add3A_266 = arith.addi %add3A_234, %all_reduce_population_count3A_265 : vector<16xi32>
          %scan3A_267 = arith.constant 3 : i32
          %scan3A_268 = arith.addi %scan3A_174, %scan3A_267 : i32
          %mul3A_269 = arith.constant 16 : i32
          %mul3A_270 = arith.muli %scan3A_268, %mul3A_269 : i32
          %get3A_271 = arith.index_cast %mul3A_270 : i32 to index
          %get3A_272 = tpu.vector_load %arg8[%get3A_271] {strides = array<i32>} : memref<1024xi32, #tpu.memory_space<vmem>>, vector<16xi32>,
          %sub3A_273 = vector.broadcast %mul3A_144 : i32 to vector<16xi32>
          %sub3A_274 = arith.subi %get3A_272, %sub3A_273 : vector<16xi32>
          %lt3A_275 = arith.constant 5000 : i32
          %lt3A_276 = vector.broadcast %lt3A_275 : i32 to vector<16xi32>
          %lt3A_277 = arith.cmpi ult, %sub3A_274, %lt3A_276 : vector<16xi32>
          %convert_element_type3A_278 = arith.extui %lt3A_277 : vector<16xi1> to vector<16xi32>
          %broadcast_in_dim3A_279 = arith.constant true
          %broadcast_in_dim3A_280 = vector.broadcast %broadcast_in_dim3A_279 : i1 to vector<16xi1>
          %masked_cumsum3A_281 = tpu.scan <sum>, %convert_element_type3A_278 masked %broadcast_in_dim3A_280 : vector<16xi32>, vector<16xi1> -> vector<16xi32>
          %add3A_282 = arith.addi %add3A_266, %masked_cumsum3A_281 : vector<16xi32>
          %sub3A_283 = arith.subi %add3A_282, %convert_element_type3A_278 : vector<16xi32>
          %mul3A_284 = arith.constant 1024 : i32
          %mul3A_285 = arith.muli %arg1, %mul3A_284 : i32
          %mul3A_286 = arith.constant 16 : i32
          %mul3A_287 = arith.muli %scan3A_268, %mul3A_286 : i32
          %add3A_288 = arith.addi %mul3A_285, %mul3A_287 : i32
          %add3A_289 = vector.broadcast %add3A_288 : i32 to vector<16xi32>
          %add3A_290 = arith.addi %iota3A, %add3A_289 : vector<16xi32>
          tpu.vector_store_idx %arg9[%sub3A_283], %add3A_290 masked %lt3A_277 : memref<1088xi32, #tpu.memory_space<vmem>>[vector<16xi32>], vector<16xi32>, vector<16xi1>
          %shift_right_arithmetic3A_291 = arith.constant 6 : i32
          %shift_right_arithmetic3A_292 = vector.broadcast %shift_right_arithmetic3A_291 : i32 to vector<16xi32>
          %shift_right_arithmetic3A_293 = arith.shrsi %sub3A_283, %shift_right_arithmetic3A_292 : vector<16xi32>
          %and3A_294 = arith.constant 63 : i32
          %and3A_295 = vector.broadcast %and3A_294 : i32 to vector<16xi32>
          %and3A_296 = arith.andi %sub3A_283, %and3A_295 : vector<16xi32>
          tpu.vector_store_idx %arg11[%shift_right_arithmetic3A_293, %and3A_296], %sub3A_274 masked %lt3A_277 : memref<17x64xi32, #tpu.memory_space<vmem>>[vector<16xi32>, vector<16xi32>], vector<16xi32>, vector<16xi1>
          %all_reduce_population_count3A_297 = tpu.all_reduce %lt3A_277 {dim = 0 : i64, kind = #tpu.reduction_kind<sum>} : vector<16xi1> -> vector<16xi32>
          %add3A_298 = arith.addi %add3A_266, %all_reduce_population_count3A_297 : vector<16xi32>
          scf.yield %add3A_298 : vector<16xi32>
        }
        %scan3A_152 = arith.constant 64 : i32
        %reduce_max3A_153 = arith.constant true
        %reduce_max3A_154 = vector.broadcast %reduce_max3A_153 : i1 to vector<16xi1>
        %reduce_max3A_155 = arith.constant -2147483648 : i32
        %reduce_max3A_156 = vector.broadcast %reduce_max3A_155 : i32 to vector<16xi32>
        %reduce_max3A_157 = arith.xori %scan3A_151, %reduce_max3A_156 : vector<16xi32>
        %reduce_max3A_158 = tpu.scan <max>, %reduce_max3A_157 masked %reduce_max3A_154 : vector<16xi32>, vector<16xi1> -> vector<16xi32>
        %reduce_max3A_159 = arith.xori %reduce_max3A_158, %reduce_max3A_156 : vector<16xi32>
        %reduce_max3A_160 = vector.extract %reduce_max3A_159[15] : i32 from vector<16xi32>
        %swap3A_161 = arith.constant 0 : i32
        %swap3A_162 = arith.index_cast %swap3A_161 : i32 to index
        %swap3A_163 = memref.load %arg15[%swap3A_162] : memref<2xi32, #tpu.memory_space<smem>>
        memref.store %reduce_max3A_160, %arg15[%swap3A_162] : memref<2xi32, #tpu.memory_space<smem>>
        %scan3A_164 = arith.constant 0 : i32
        %scan3A_165 = arith.constant 4 : i32
        %scan3A_166 = arith.addi %scan3A_164, %scan3A_165 : i32
        %scan3A_167 = arith.constant 1 : i32
        scf.for %scan3A_174 = %scan3A_164 to %scan3A_166 step %scan3A_167  : i32 {
          %mul3A_175 = arith.constant 1 : i32
          %mul3A_176 = arith.muli %scan3A_174, %mul3A_175 : i32
          %add3A_177 = arith.constant 0 : i32
          %add3A_178 = arith.addi %add3A_177, %mul3A_176 : i32
          %add3A_179 = vector.broadcast %reduce_max3A_160 : i32 to vector<16xi32>
          %add3A_180 = arith.addi %add3A_179, %iota3A : vector<16xi32>
          %mul3A_181 = arith.constant 16 : i32
          %mul3A_182 = arith.muli %add3A_178, %mul3A_181 : i32
          %add3A_183 = vector.broadcast %mul3A_182 : i32 to vector<16xi32>
          %add3A_184 = arith.addi %add3A_180, %add3A_183 : vector<16xi32>
          %mul3A_185 = arith.constant 16 : i32
          %mul3A_186 = arith.muli %add3A_178, %mul3A_185 : i32
          %add3A_187 = vector.broadcast %mul3A_186 : i32 to vector<16xi32>
          %add3A_188 = arith.addi %iota3A, %add3A_187 : vector<16xi32>
          tpu.vector_store_idx %arg9[%add3A_184], %add3A_188 masked %ge3A_1 : memref<1088xi32, #tpu.memory_space<vmem>>[vector<16xi32>], vector<16xi32>, vector<16xi1>
          %shift_right_arithmetic3A_189 = arith.constant 6 : i32
          %shift_right_arithmetic3A_190 = vector.broadcast %shift_right_arithmetic3A_189 : i32 to vector<16xi32>
          %shift_right_arithmetic3A_191 = arith.shrsi %add3A_184, %shift_right_arithmetic3A_190 : vector<16xi32>
          %and3A_192 = arith.constant 63 : i32
          %and3A_193 = vector.broadcast %and3A_192 : i32 to vector<16xi32>
          %and3A_194 = arith.andi %add3A_184, %and3A_193 : vector<16xi32>
          %add3A_195 = arith.constant 5000 : i32
          %add3A_196 = vector.broadcast %add3A_195 : i32 to vector<16xi32>
          %add3A_197 = arith.addi %iota3A, %add3A_196 : vector<16xi32>
          tpu.vector_store_idx %arg11[%shift_right_arithmetic3A_191, %and3A_194], %add3A_197 masked %ge3A_1 : memref<17x64xi32, #tpu.memory_space<vmem>>[vector<16xi32>, vector<16xi32>], vector<16xi32>, vector<16xi1>
        }
        %scan3A_168 = arith.constant 4 : i32
        %dma_start3A_169 = arith.constant 0 : i32
        %dma_start3A_170 = tpu.memref_slice %arg9[%dma_start3A_169] : memref<1088xi32, #tpu.memory_space<vmem>> -> memref<64xi32, #tpu.memory_space<vmem>>
        %dma_start3A_171 = arith.constant 0 : i32
        %dma_start3A_172 = arith.constant 0 : i32
        %dma_start3A_173 = tpu.memref_slice %arg3[%dma_start3A_171, %dma_start3A_172] : memref<16384x128xf32, #tpu.memory_space<hbm>> -> memref<16384x128xf32, #tpu.memory_space<hbm>>
        tpu.enqueue_indirect_dma source(%dma_start3A_173 : memref<16384x128xf32, #tpu.memory_space<hbm>>) target(%arg13 : memref<64x128xf32, #tpu.memory_space<vmem>>) offsets(%dma_start3A_170 : memref<64xi32, #tpu.memory_space<vmem>>) semaphore(%arg20 : memref<!tpu.dma_semaphore, #tpu.memory_space<semaphore_mem>>)
      } else {
      }
      %lt3A_96 = arith.constant 5 : i32
      %lt3A_97 = arith.cmpi slt, %arg1, %lt3A_96 : i32
      %convert_element_type3A_98 = arith.extui %lt3A_97 : i1 to i32
      %cond3A_99 = arith.constant 0 : i32
      %cond3A_100 = arith.cmpi ne, %convert_element_type3A_98, %cond3A_99 : i32
      scf.if %cond3A_100 {
        %mul3A_138 = arith.constant 2 : i32
        %mul3A_139 = arith.muli %add3A_52, %mul3A_138 : i32
        %add3A_140 = arith.addi %mul3A_139, %arg0 : i32
        %mul3A_141 = arith.constant 5000 : i32
        %mul3A_142 = arith.muli %add3A_140, %mul3A_141 : i32
        %mul3A_143 = arith.constant 1000 : i32
        %mul3A_144 = arith.muli %arg1, %mul3A_143 : i32
        %add3A_145 = arith.addi %mul3A_142, %mul3A_144 : i32
        %mul3A_146 = arith.constant 1000 : i32
        %mul3A_147 = arith.muli %arg1, %mul3A_146 : i32
        %dma_wait3A_148 = arith.constant 0 : i32
        %dma_wait3A_149 = tpu.memref_slice %arg7[%mul3A_147, %dma_wait3A_148] : memref<5016x128xf32, #tpu.memory_space<vmem_shared>> -> memref<1000x128xf32, #tpu.memory_space<vmem_shared>>
        %dma_wait3A_150 = arith.constant 0 : i32
        %dma_wait3A_151 = tpu.memref_slice %arg2[%add3A_145, %dma_wait3A_150] : memref<100000x128xf32, #tpu.memory_space<hbm>> -> memref<1000x128xf32, #tpu.memory_space<hbm>>
        tpu.wait_dma2 semaphore(%arg17 : memref<!tpu.dma_semaphore, #tpu.memory_space<semaphore_mem>>) src(%dma_wait3A_151 : memref<1000x128xf32, #tpu.memory_space<hbm>>) dst(%dma_wait3A_149 : memref<1000x128xf32, #tpu.memory_space<vmem_shared>>)
      } else {
      }
      %barrier3A_101 = arith.constant 0 : index
      tpu.barrier barrier_id(%barrier3A_101)
      %dma_wait3A_102 = arith.constant 0 : i32
      %dma_wait3A_103 = tpu.memref_slice %arg10[%dma_wait3A_102] : memref<1088xi32, #tpu.memory_space<vmem>> -> memref<64xi32, #tpu.memory_space<vmem>>
      %dma_wait3A_104 = arith.constant 0 : i32
      %dma_wait3A_105 = arith.constant 0 : i32
      %dma_wait3A_106 = tpu.memref_slice %arg3[%dma_wait3A_104, %dma_wait3A_105] : memref<16384x128xf32, #tpu.memory_space<hbm>> -> memref<16384x128xf32, #tpu.memory_space<hbm>>
      tpu.wait_indirect_dma semaphore(%arg21 : memref<!tpu.dma_semaphore, #tpu.memory_space<semaphore_mem>>) src(%dma_wait3A_106 : memref<16384x128xf32, #tpu.memory_space<hbm>>) dst(%arg14 : memref<64x128xf32, #tpu.memory_space<vmem>>)
      %run_scoped3A_107 = arith.constant 0 : i32
      "tpu.region"() ({
        %run_scoped3A_138 = tpu.sem_alloc : memref<!tpu.dma_semaphore, #tpu.memory_space<semaphore_mem>>
        %dma_start3A_139 = arith.constant 0 : i32
        %dma_start3A_140 = tpu.memref_slice %arg12[%run_scoped3A_107, %dma_start3A_139] : memref<17x64xi32, #tpu.memory_space<vmem>> -> memref<1x64xi32, #tpu.memory_space<vmem>>
        %dma_start3A_141 = tpu.memref_squeeze %dma_start3A_140 : memref<1x64xi32, #tpu.memory_space<vmem>> -> memref<64xi32, #tpu.memory_space<vmem>>
        %dma_start3A_142 = arith.constant 0 : i32
        %dma_start3A_143 = arith.constant 0 : i32
        %dma_start3A_144 = tpu.memref_slice %arg7[%dma_start3A_142, %dma_start3A_143] : memref<5016x128xf32, #tpu.memory_space<vmem_shared>> -> memref<5016x128xf32, #tpu.memory_space<vmem_shared>>
        tpu.enqueue_indirect_dma source(%arg14 : memref<64x128xf32, #tpu.memory_space<vmem>>) target(%dma_start3A_144 : memref<5016x128xf32, #tpu.memory_space<vmem_shared>>) offsets(%dma_start3A_141 : memref<64xi32, #tpu.memory_space<vmem>>) semaphore(%run_scoped3A_138 : memref<!tpu.dma_semaphore, #tpu.memory_space<semaphore_mem>>) {add = true}
        %dma_wait3A_145 = arith.constant 0 : i32
        %dma_wait3A_146 = tpu.memref_slice %arg12[%run_scoped3A_107, %dma_wait3A_145] : memref<17x64xi32, #tpu.memory_space<vmem>> -> memref<1x64xi32, #tpu.memory_space<vmem>>
        %dma_wait3A_147 = tpu.memref_squeeze %dma_wait3A_146 : memref<1x64xi32, #tpu.memory_space<vmem>> -> memref<64xi32, #tpu.memory_space<vmem>>
        %dma_wait3A_148 = arith.constant 0 : i32
        %dma_wait3A_149 = arith.constant 0 : i32
        %dma_wait3A_150 = tpu.memref_slice %arg7[%dma_wait3A_148, %dma_wait3A_149] : memref<5016x128xf32, #tpu.memory_space<vmem_shared>> -> memref<5016x128xf32, #tpu.memory_space<vmem_shared>>
        tpu.wait_indirect_dma semaphore(%run_scoped3A_138 : memref<!tpu.dma_semaphore, #tpu.memory_space<semaphore_mem>>) src(%arg14 : memref<64x128xf32, #tpu.memory_space<vmem>>) dst(%dma_wait3A_150 : memref<5016x128xf32, #tpu.memory_space<vmem_shared>>)
        tpu.yield
      }) : () -> ()
      %get3A_108 = arith.constant 1 : i32
      %get3A_109 = arith.index_cast %get3A_108 : i32 to index
      %get3A_110 = memref.load %arg15[%get3A_109] : memref<2xi32, #tpu.memory_space<smem>>
      %add3A_111 = arith.constant 63 : i32
      %add3A_112 = arith.addi %get3A_110, %add3A_111 : i32
      %shift_right_arithmetic3A_113 = arith.constant 6 : i32
      %shift_right_arithmetic3A_114 = arith.shrsi %add3A_112, %shift_right_arithmetic3A_113 : i32
      %while3A_115 = arith.constant 0 : i32
      %while3A_116 = arith.constant 1 : i32
      %while3A_117 = arith.subi %shift_right_arithmetic3A_114, %while3A_116 : i32
      %while3A_118 = arith.addi %while3A_116, %while3A_117 : i32
      %while3A_119 = arith.constant 1 : i32
      %while3A_120 = arith.divsi %while3A_117, %while3A_119 : i32
      %while3A_121 = arith.muli %while3A_120, %while3A_119 : i32
      %while3A_122 = arith.addi %while3A_116, %while3A_121 : i32
      %while3A_123 = arith.constant 1 : i32
      scf.for %while3A_138 = %while3A_116 to %while3A_122 step %while3A_123  : i32 {
        %mul3A_139 = arith.constant 64 : i32
        %mul3A_140 = arith.muli %while3A_138, %mul3A_139 : i32
        "tpu.region"() ({
          %run_scoped3A_141 = tpu.sem_alloc : memref<!tpu.dma_semaphore, #tpu.memory_space<semaphore_mem>>
          %dma_start3A_142 = tpu.memref_slice %arg10[%mul3A_140] : memref<1088xi32, #tpu.memory_space<vmem>> -> memref<64xi32, #tpu.memory_space<vmem>>
          %dma_start3A_143 = arith.constant 0 : i32
          %dma_start3A_144 = arith.constant 0 : i32
          %dma_start3A_145 = tpu.memref_slice %arg3[%dma_start3A_143, %dma_start3A_144] : memref<16384x128xf32, #tpu.memory_space<hbm>> -> memref<16384x128xf32, #tpu.memory_space<hbm>>
          tpu.enqueue_indirect_dma source(%dma_start3A_145 : memref<16384x128xf32, #tpu.memory_space<hbm>>) target(%arg14 : memref<64x128xf32, #tpu.memory_space<vmem>>) offsets(%dma_start3A_142 : memref<64xi32, #tpu.memory_space<vmem>>) semaphore(%run_scoped3A_141 : memref<!tpu.dma_semaphore, #tpu.memory_space<semaphore_mem>>)
          %dma_wait3A_146 = tpu.memref_slice %arg10[%mul3A_140] : memref<1088xi32, #tpu.memory_space<vmem>> -> memref<64xi32, #tpu.memory_space<vmem>>
          %dma_wait3A_147 = arith.constant 0 : i32
          %dma_wait3A_148 = arith.constant 0 : i32
          %dma_wait3A_149 = tpu.memref_slice %arg3[%dma_wait3A_147, %dma_wait3A_148] : memref<16384x128xf32, #tpu.memory_space<hbm>> -> memref<16384x128xf32, #tpu.memory_space<hbm>>
          tpu.wait_indirect_dma semaphore(%run_scoped3A_141 : memref<!tpu.dma_semaphore, #tpu.memory_space<semaphore_mem>>) src(%dma_wait3A_149 : memref<16384x128xf32, #tpu.memory_space<hbm>>) dst(%arg14 : memref<64x128xf32, #tpu.memory_space<vmem>>)
          tpu.yield
        }) : () -> ()
        "tpu.region"() ({
          %run_scoped3A_141 = tpu.sem_alloc : memref<!tpu.dma_semaphore, #tpu.memory_space<semaphore_mem>>
          %dma_start3A_142 = arith.constant 0 : i32
          %dma_start3A_143 = tpu.memref_slice %arg12[%while3A_138, %dma_start3A_142] : memref<17x64xi32, #tpu.memory_space<vmem>> -> memref<1x64xi32, #tpu.memory_space<vmem>>
          %dma_start3A_144 = tpu.memref_squeeze %dma_start3A_143 : memref<1x64xi32, #tpu.memory_space<vmem>> -> memref<64xi32, #tpu.memory_space<vmem>>
          %dma_start3A_145 = arith.constant 0 : i32
          %dma_start3A_146 = arith.constant 0 : i32
          %dma_start3A_147 = tpu.memref_slice %arg7[%dma_start3A_145, %dma_start3A_146] : memref<5016x128xf32, #tpu.memory_space<vmem_shared>> -> memref<5016x128xf32, #tpu.memory_space<vmem_shared>>
          tpu.enqueue_indirect_dma source(%arg14 : memref<64x128xf32, #tpu.memory_space<vmem>>) target(%dma_start3A_147 : memref<5016x128xf32, #tpu.memory_space<vmem_shared>>) offsets(%dma_start3A_144 : memref<64xi32, #tpu.memory_space<vmem>>) semaphore(%run_scoped3A_141 : memref<!tpu.dma_semaphore, #tpu.memory_space<semaphore_mem>>) {add = true}
          %dma_wait3A_148 = arith.constant 0 : i32
          %dma_wait3A_149 = tpu.memref_slice %arg12[%while3A_138, %dma_wait3A_148] : memref<17x64xi32, #tpu.memory_space<vmem>> -> memref<1x64xi32, #tpu.memory_space<vmem>>
          %dma_wait3A_150 = tpu.memref_squeeze %dma_wait3A_149 : memref<1x64xi32, #tpu.memory_space<vmem>> -> memref<64xi32, #tpu.memory_space<vmem>>
          %dma_wait3A_151 = arith.constant 0 : i32
          %dma_wait3A_152 = arith.constant 0 : i32
          %dma_wait3A_153 = tpu.memref_slice %arg7[%dma_wait3A_151, %dma_wait3A_152] : memref<5016x128xf32, #tpu.memory_space<vmem_shared>> -> memref<5016x128xf32, #tpu.memory_space<vmem_shared>>
          tpu.wait_indirect_dma semaphore(%run_scoped3A_141 : memref<!tpu.dma_semaphore, #tpu.memory_space<semaphore_mem>>) src(%arg14 : memref<64x128xf32, #tpu.memory_space<vmem>>) dst(%dma_wait3A_153 : memref<5016x128xf32, #tpu.memory_space<vmem_shared>>)
          tpu.yield
        }) : () -> ()
      }
      %while3A_124 = arith.constant 1 : i32
      scf.for %while3A_138 = %while3A_122 to %while3A_118 step %while3A_124  : i32 {
        %mul3A_139 = arith.constant 64 : i32
        %mul3A_140 = arith.muli %while3A_138, %mul3A_139 : i32
        "tpu.region"() ({
          %run_scoped3A_141 = tpu.sem_alloc : memref<!tpu.dma_semaphore, #tpu.memory_space<semaphore_mem>>
          %dma_start3A_142 = tpu.memref_slice %arg10[%mul3A_140] : memref<1088xi32, #tpu.memory_space<vmem>> -> memref<64xi32, #tpu.memory_space<vmem>>
          %dma_start3A_143 = arith.constant 0 : i32
          %dma_start3A_144 = arith.constant 0 : i32
          %dma_start3A_145 = tpu.memref_slice %arg3[%dma_start3A_143, %dma_start3A_144] : memref<16384x128xf32, #tpu.memory_space<hbm>> -> memref<16384x128xf32, #tpu.memory_space<hbm>>
          tpu.enqueue_indirect_dma source(%dma_start3A_145 : memref<16384x128xf32, #tpu.memory_space<hbm>>) target(%arg14 : memref<64x128xf32, #tpu.memory_space<vmem>>) offsets(%dma_start3A_142 : memref<64xi32, #tpu.memory_space<vmem>>) semaphore(%run_scoped3A_141 : memref<!tpu.dma_semaphore, #tpu.memory_space<semaphore_mem>>)
          %dma_wait3A_146 = tpu.memref_slice %arg10[%mul3A_140] : memref<1088xi32, #tpu.memory_space<vmem>> -> memref<64xi32, #tpu.memory_space<vmem>>
          %dma_wait3A_147 = arith.constant 0 : i32
          %dma_wait3A_148 = arith.constant 0 : i32
          %dma_wait3A_149 = tpu.memref_slice %arg3[%dma_wait3A_147, %dma_wait3A_148] : memref<16384x128xf32, #tpu.memory_space<hbm>> -> memref<16384x128xf32, #tpu.memory_space<hbm>>
          tpu.wait_indirect_dma semaphore(%run_scoped3A_141 : memref<!tpu.dma_semaphore, #tpu.memory_space<semaphore_mem>>) src(%dma_wait3A_149 : memref<16384x128xf32, #tpu.memory_space<hbm>>) dst(%arg14 : memref<64x128xf32, #tpu.memory_space<vmem>>)
          tpu.yield
        }) : () -> ()
        "tpu.region"() ({
          %run_scoped3A_141 = tpu.sem_alloc : memref<!tpu.dma_semaphore, #tpu.memory_space<semaphore_mem>>
          %dma_start3A_142 = arith.constant 0 : i32
          %dma_start3A_143 = tpu.memref_slice %arg12[%while3A_138, %dma_start3A_142] : memref<17x64xi32, #tpu.memory_space<vmem>> -> memref<1x64xi32, #tpu.memory_space<vmem>>
          %dma_start3A_144 = tpu.memref_squeeze %dma_start3A_143 : memref<1x64xi32, #tpu.memory_space<vmem>> -> memref<64xi32, #tpu.memory_space<vmem>>
          %dma_start3A_145 = arith.constant 0 : i32
          %dma_start3A_146 = arith.constant 0 : i32
          %dma_start3A_147 = tpu.memref_slice %arg7[%dma_start3A_145, %dma_start3A_146] : memref<5016x128xf32, #tpu.memory_space<vmem_shared>> -> memref<5016x128xf32, #tpu.memory_space<vmem_shared>>
          tpu.enqueue_indirect_dma source(%arg14 : memref<64x128xf32, #tpu.memory_space<vmem>>) target(%dma_start3A_147 : memref<5016x128xf32, #tpu.memory_space<vmem_shared>>) offsets(%dma_start3A_144 : memref<64xi32, #tpu.memory_space<vmem>>) semaphore(%run_scoped3A_141 : memref<!tpu.dma_semaphore, #tpu.memory_space<semaphore_mem>>) {add = true}
          %dma_wait3A_148 = arith.constant 0 : i32
          %dma_wait3A_149 = tpu.memref_slice %arg12[%while3A_138, %dma_wait3A_148] : memref<17x64xi32, #tpu.memory_space<vmem>> -> memref<1x64xi32, #tpu.memory_space<vmem>>
          %dma_wait3A_150 = tpu.memref_squeeze %dma_wait3A_149 : memref<1x64xi32, #tpu.memory_space<vmem>> -> memref<64xi32, #tpu.memory_space<vmem>>
          %dma_wait3A_151 = arith.constant 0 : i32
          %dma_wait3A_152 = arith.constant 0 : i32
          %dma_wait3A_153 = tpu.memref_slice %arg7[%dma_wait3A_151, %dma_wait3A_152] : memref<5016x128xf32, #tpu.memory_space<vmem_shared>> -> memref<5016x128xf32, #tpu.memory_space<vmem_shared>>
          tpu.wait_indirect_dma semaphore(%run_scoped3A_141 : memref<!tpu.dma_semaphore, #tpu.memory_space<semaphore_mem>>) src(%arg14 : memref<64x128xf32, #tpu.memory_space<vmem>>) dst(%dma_wait3A_153 : memref<5016x128xf32, #tpu.memory_space<vmem_shared>>)
          tpu.yield
        }) : () -> ()
      }
      %barrier3A_125 = arith.constant 0 : index
      tpu.barrier barrier_id(%barrier3A_125)
      %lt3A_126 = arith.constant 5 : i32
      %lt3A_127 = arith.cmpi slt, %arg1, %lt3A_126 : i32
      %convert_element_type3A_128 = arith.extui %lt3A_127 : i1 to i32
      %cond3A_129 = arith.constant 0 : i32
      %cond3A_130 = arith.cmpi ne, %convert_element_type3A_128, %cond3A_129 : i32
      scf.if %cond3A_130 {
        %mul3A_138 = arith.constant 1000 : i32
        %mul3A_139 = arith.muli %arg1, %mul3A_138 : i32
        %mul3A_140 = arith.constant 2 : i32
        %mul3A_141 = arith.muli %add3A_52, %mul3A_140 : i32
        %add3A_142 = arith.addi %mul3A_141, %arg0 : i32
        %mul3A_143 = arith.constant 5000 : i32
        %mul3A_144 = arith.muli %add3A_142, %mul3A_143 : i32
        %mul3A_145 = arith.constant 1000 : i32
        %mul3A_146 = arith.muli %arg1, %mul3A_145 : i32
        %add3A_147 = arith.addi %mul3A_144, %mul3A_146 : i32
        %dma_start3A_148 = arith.constant 0 : i32
        %dma_start3A_149 = tpu.memref_slice %arg5[%add3A_147, %dma_start3A_148] : memref<100000x128xf32, #tpu.memory_space<hbm>> -> memref<1000x128xf32, #tpu.memory_space<hbm>>
        %dma_start3A_150 = arith.constant 0 : i32
        %dma_start3A_151 = tpu.memref_slice %arg7[%mul3A_139, %dma_start3A_150] : memref<5016x128xf32, #tpu.memory_space<vmem_shared>> -> memref<1000x128xf32, #tpu.memory_space<vmem_shared>>
        tpu.enqueue_dma source(%dma_start3A_151 : memref<1000x128xf32, #tpu.memory_space<vmem_shared>>) target(%dma_start3A_149 : memref<1000x128xf32, #tpu.memory_space<hbm>>) target_semaphore(%arg19 : memref<!tpu.dma_semaphore, #tpu.memory_space<semaphore_mem>>)
      } else {
      }
      %lt3A_131 = arith.constant 5 : i32
      %lt3A_132 = arith.cmpi slt, %arg1, %lt3A_131 : i32
      %lt3A_133 = arith.constant 4 : i32
      %lt3A_134 = arith.cmpi slt, %add3A_46, %lt3A_133 : i32
      %and3A = arith.andi %lt3A_132, %lt3A_134 : i1
      %convert_element_type3A_135 = arith.extui %and3A : i1 to i32
      %cond3A_136 = arith.constant 0 : i32
      %cond3A_137 = arith.cmpi ne, %convert_element_type3A_135, %cond3A_136 : i32
      scf.if %cond3A_137 {
        %mul3A_138 = arith.constant 1000 : i32
        %mul3A_139 = arith.muli %arg1, %mul3A_138 : i32
        %mul3A_140 = arith.constant 2 : i32
        %mul3A_141 = arith.muli %mul3A_48, %mul3A_140 : i32
        %add3A_142 = arith.addi %mul3A_141, %arg0 : i32
        %mul3A_143 = arith.constant 5000 : i32
        %mul3A_144 = arith.muli %add3A_142, %mul3A_143 : i32
        %mul3A_145 = arith.constant 1000 : i32
        %mul3A_146 = arith.muli %arg1, %mul3A_145 : i32
        %add3A_147 = arith.addi %mul3A_144, %mul3A_146 : i32
        %dma_wait3A_148 = arith.constant 0 : i32
        %dma_wait3A_149 = tpu.memref_slice %arg5[%add3A_147, %dma_wait3A_148] : memref<100000x128xf32, #tpu.memory_space<hbm>> -> memref<1000x128xf32, #tpu.memory_space<hbm>>
        %dma_wait3A_150 = arith.constant 0 : i32
        %dma_wait3A_151 = tpu.memref_slice %arg6[%mul3A_139, %dma_wait3A_150] : memref<5016x128xf32, #tpu.memory_space<vmem_shared>> -> memref<1000x128xf32, #tpu.memory_space<vmem_shared>>
        tpu.wait_dma2 semaphore(%arg18 : memref<!tpu.dma_semaphore, #tpu.memory_space<semaphore_mem>>) src(%dma_wait3A_151 : memref<1000x128xf32, #tpu.memory_space<vmem_shared>>) dst(%dma_wait3A_149 : memref<1000x128xf32, #tpu.memory_space<hbm>>)
        %add3A_152 = arith.constant 2 : i32
        %add3A_153 = arith.addi %mul3A_48, %add3A_152 : i32
        %mul3A_154 = arith.constant 2 : i32
        %mul3A_155 = arith.muli %add3A_153, %mul3A_154 : i32
        %add3A_156 = arith.addi %mul3A_155, %arg0 : i32
        %mul3A_157 = arith.constant 5000 : i32
        %mul3A_158 = arith.muli %add3A_156, %mul3A_157 : i32
        %mul3A_159 = arith.constant 1000 : i32
        %mul3A_160 = arith.muli %arg1, %mul3A_159 : i32
        %add3A_161 = arith.addi %mul3A_158, %mul3A_160 : i32
        %mul3A_162 = arith.constant 1000 : i32
        %mul3A_163 = arith.muli %arg1, %mul3A_162 : i32
        %dma_start3A_164 = arith.constant 0 : i32
        %dma_start3A_165 = tpu.memref_slice %arg6[%mul3A_163, %dma_start3A_164] : memref<5016x128xf32, #tpu.memory_space<vmem_shared>> -> memref<1000x128xf32, #tpu.memory_space<vmem_shared>>
        %dma_start3A_166 = arith.constant 0 : i32
        %dma_start3A_167 = tpu.memref_slice %arg2[%add3A_161, %dma_start3A_166] : memref<100000x128xf32, #tpu.memory_space<hbm>> -> memref<1000x128xf32, #tpu.memory_space<hbm>>
        tpu.enqueue_dma source(%dma_start3A_167 : memref<1000x128xf32, #tpu.memory_space<hbm>>) target(%dma_start3A_165 : memref<1000x128xf32, #tpu.memory_space<vmem_shared>>) target_semaphore(%arg16 : memref<!tpu.dma_semaphore, #tpu.memory_space<semaphore_mem>>)
        %mul3A_168 = arith.constant 1000 : i32
        %mul3A_169 = arith.muli %arg1, %mul3A_168 : i32
        %mul3A_170 = arith.constant 2 : i32
        %mul3A_171 = arith.muli %add3A_52, %mul3A_170 : i32
        %add3A_172 = arith.addi %mul3A_171, %arg0 : i32
        %mul3A_173 = arith.constant 5000 : i32
        %mul3A_174 = arith.muli %add3A_172, %mul3A_173 : i32
        %mul3A_175 = arith.constant 1000 : i32
        %mul3A_176 = arith.muli %arg1, %mul3A_175 : i32
        %add3A_177 = arith.addi %mul3A_174, %mul3A_176 : i32
        %dma_wait3A_178 = arith.constant 0 : i32
        %dma_wait3A_179 = tpu.memref_slice %arg5[%add3A_177, %dma_wait3A_178] : memref<100000x128xf32, #tpu.memory_space<hbm>> -> memref<1000x128xf32, #tpu.memory_space<hbm>>
        %dma_wait3A_180 = arith.constant 0 : i32
        %dma_wait3A_181 = tpu.memref_slice %arg7[%mul3A_169, %dma_wait3A_180] : memref<5016x128xf32, #tpu.memory_space<vmem_shared>> -> memref<1000x128xf32, #tpu.memory_space<vmem_shared>>
        tpu.wait_dma2 semaphore(%arg19 : memref<!tpu.dma_semaphore, #tpu.memory_space<semaphore_mem>>) src(%dma_wait3A_181 : memref<1000x128xf32, #tpu.memory_space<vmem_shared>>) dst(%dma_wait3A_179 : memref<1000x128xf32, #tpu.memory_space<hbm>>)
        %add3A_182 = arith.constant 2 : i32
        %add3A_183 = arith.addi %add3A_52, %add3A_182 : i32
        %mul3A_184 = arith.constant 2 : i32
        %mul3A_185 = arith.muli %add3A_183, %mul3A_184 : i32
        %add3A_186 = arith.addi %mul3A_185, %arg0 : i32
        %mul3A_187 = arith.constant 5000 : i32
        %mul3A_188 = arith.muli %add3A_186, %mul3A_187 : i32
        %mul3A_189 = arith.constant 1000 : i32
        %mul3A_190 = arith.muli %arg1, %mul3A_189 : i32
        %add3A_191 = arith.addi %mul3A_188, %mul3A_190 : i32
        %mul3A_192 = arith.constant 1000 : i32
        %mul3A_193 = arith.muli %arg1, %mul3A_192 : i32
        %dma_start3A_194 = arith.constant 0 : i32
        %dma_start3A_195 = tpu.memref_slice %arg7[%mul3A_193, %dma_start3A_194] : memref<5016x128xf32, #tpu.memory_space<vmem_shared>> -> memref<1000x128xf32, #tpu.memory_space<vmem_shared>>
        %dma_start3A_196 = arith.constant 0 : i32
        %dma_start3A_197 = tpu.memref_slice %arg2[%add3A_191, %dma_start3A_196] : memref<100000x128xf32, #tpu.memory_space<hbm>> -> memref<1000x128xf32, #tpu.memory_space<hbm>>
        tpu.enqueue_dma source(%dma_start3A_197 : memref<1000x128xf32, #tpu.memory_space<hbm>>) target(%dma_start3A_195 : memref<1000x128xf32, #tpu.memory_space<vmem_shared>>) target_semaphore(%arg17 : memref<!tpu.dma_semaphore, #tpu.memory_space<semaphore_mem>>)
      } else {
      }
    }
    %scan3A_36 = arith.constant 5 : i32
    %lt3A_37 = arith.constant 5 : i32
    %lt3A_38 = arith.cmpi slt, %arg1, %lt3A_37 : i32
    %convert_element_type3A_39 = arith.extui %lt3A_38 : i1 to i32
    %cond3A_40 = arith.constant 0 : i32
    %cond3A_41 = arith.cmpi ne, %convert_element_type3A_39, %cond3A_40 : i32
    scf.if %cond3A_41 {
      %mul3A_42 = arith.constant 1000 : i32
      %mul3A_43 = arith.muli %arg1, %mul3A_42 : i32
      %add3A_44 = arith.constant 16 : i32
      %add3A_45 = arith.addi %add3A_44, %arg0 : i32
      %mul3A_46 = arith.constant 5000 : i32
      %mul3A_47 = arith.muli %add3A_45, %mul3A_46 : i32
      %mul3A_48 = arith.constant 1000 : i32
      %mul3A_49 = arith.muli %arg1, %mul3A_48 : i32
      %add3A_50 = arith.addi %mul3A_47, %mul3A_49 : i32
      %dma_wait3A = arith.constant 0 : i32
      %dma_wait3A_51 = tpu.memref_slice %arg5[%add3A_50, %dma_wait3A] : memref<100000x128xf32, #tpu.memory_space<hbm>> -> memref<1000x128xf32, #tpu.memory_space<hbm>>
      %dma_wait3A_52 = arith.constant 0 : i32
      %dma_wait3A_53 = tpu.memref_slice %arg6[%mul3A_43, %dma_wait3A_52] : memref<5016x128xf32, #tpu.memory_space<vmem_shared>> -> memref<1000x128xf32, #tpu.memory_space<vmem_shared>>
      tpu.wait_dma2 semaphore(%arg18 : memref<!tpu.dma_semaphore, #tpu.memory_space<semaphore_mem>>) src(%dma_wait3A_53 : memref<1000x128xf32, #tpu.memory_space<vmem_shared>>) dst(%dma_wait3A_51 : memref<1000x128xf32, #tpu.memory_space<hbm>>)
      %mul3A_54 = arith.constant 1000 : i32
      %mul3A_55 = arith.muli %arg1, %mul3A_54 : i32
      %add3A_56 = arith.constant 18 : i32
      %add3A_57 = arith.addi %add3A_56, %arg0 : i32
      %mul3A_58 = arith.constant 5000 : i32
      %mul3A_59 = arith.muli %add3A_57, %mul3A_58 : i32
      %mul3A_60 = arith.constant 1000 : i32
      %mul3A_61 = arith.muli %arg1, %mul3A_60 : i32
      %add3A_62 = arith.addi %mul3A_59, %mul3A_61 : i32
      %dma_wait3A_63 = arith.constant 0 : i32
      %dma_wait3A_64 = tpu.memref_slice %arg5[%add3A_62, %dma_wait3A_63] : memref<100000x128xf32, #tpu.memory_space<hbm>> -> memref<1000x128xf32, #tpu.memory_space<hbm>>
      %dma_wait3A_65 = arith.constant 0 : i32
      %dma_wait3A_66 = tpu.memref_slice %arg7[%mul3A_55, %dma_wait3A_65] : memref<5016x128xf32, #tpu.memory_space<vmem_shared>> -> memref<1000x128xf32, #tpu.memory_space<vmem_shared>>
      tpu.wait_dma2 semaphore(%arg19 : memref<!tpu.dma_semaphore, #tpu.memory_space<semaphore_mem>>) src(%dma_wait3A_66 : memref<1000x128xf32, #tpu.memory_space<vmem_shared>>) dst(%dma_wait3A_64 : memref<1000x128xf32, #tpu.memory_space<hbm>>)
    } else {
    }
    return
  }
}

</mosaic_0001>

<sc_bundles>
// kernel: kernel.3.cloned.1.call-start
scs
__scs_entry_jumppad:
0x0: {  	(pc) =	sbr.rel $0x88, $3  }
0x1: {  	(tag) =	ssettag $0x0;
	lr =	simm.s32 $0x1  }
0x2: {  	[smem:$0x3F9E] =	sst lr;
	_ =	strace $0xD0000000  }
0x3: {  	_ = 	snop  }
0x4: {  	_ = 	snop  }
0x5: {  	_ = 	snop  }
0x6: {  	_ = 	snop  }
0x7: {  	_ = 	snop  }
__scs_overlays_trampoline_lowered:
0x8: {  	[smem:$0x3FAD] =	sst s0  }
0x9: {  	[smem:$0x3FAE] =	sst s1  }
0xa: {  	[smem:$0x3FAF] =	sst s2  }
0xb: {  	[smem:$0x3FB0] =	sst s3  }
0xc: {  	[smem:$0x3FB1] =	sst s4  }
0xd: {  	[smem:$0x3FB2] =	sst s5  }
0xe: {  	[smem:$0x3FB3] =	sst s6  }
0xf: {  	[smem:$0x3FB4] =	sst s7  }
0x10: {  	[smem:$0x3FB5] =	sst s8  }
0x11: {  	[smem:$0x3FB6] =	sst s9;
	s0 =	simm.s32 @!p0 $0x0  }
0x12: {  	s1 =	sld [smem:$0x3F9C];
	s0 =	simm.s32 @p0 $0x1  }
0x13: {  	[smem:$0x3FB7] =	sst s0;
	s0 =	simm.s32 @!p1 $0x0  }
0x14: {  	s2 =	sld [smem:$0x3F9B];
	s0 =	simm.s32 @p1 $0x1  }
0x15: {  	[smem:$0x3FB8] =	sst s0;
	s0 =	simm.s32 @!p2 $0x0  }
0x16: {  	s3 =	sld [smem:$0x3FDB];
	s0 =	simm.s32 @p2 $0x1  }
0x17: {  	s4 =	simm.s32 $0x1BF5;
	[smem:$0x3FBA] =	sst s0  }
0x18: {  	s0 =	sld [smem:$0x3F9D];
	_ =	swait.ge [sflag:s4], $0x0  }
0x19: {  	s7 =	sld [smem:$0x3F9E]  }
0x1a: {  	s8 =	sadd.s32 $0xFFFFE003, lr  }
0x1b: {  	s9 =	sadd.s32 $0xFFFFFEF7, lr;
	s5 =	simm.s32 $0xFFFFFFFF;
	p2 =	slt.u32 s8, $0xFFFFF086  }
0x1c: {  	p1 =	slt.u32 s9, $0xF7A;
	s5 =	simm.s32 @!p2 $0x0  }
0x1d: {  	s5 =	simm.s32 @p1 $0x1;
	p0 =	seq.s32 s7, s2  }
0x1e: {  	s7 =	smul.u32 @!p0 $0xF7A, s2;
	p2 =	seq.s32 @!p0 s5, $0x0  }
0x1f: {  	s9 =	smul.u32 $0xF7A, s1;
	s8 =	simm.s32 @!p0 $0x1BF5;
	p2 =	por !p2, p0  }
0x20: {  	[sflag:s8] =	ssyncset.s32 @!p0 $0xFFFFF086;
	s6 =	sadd.s32 @!p0 s3, s7;
	s7 =	simm.s32 @!p0 $0x108  }
0x21: {  	s3 =	sadd.s32 s3, s9;
	s6 =	sadd.s32 @!p0 $0x88, s6;
	s7 =	simm.s32 @p2 $0x1082  }
0x22: {  	[simem:s7], [sflag:s8] =	dma.local @!p0 [hbm:s6], $0xF7A  }
0x23: {  	s9 =	sor.u32 $0xD0000000, s2;
	s6 =	simm.s32 $0x108;
	_ =	swait.ge @!p0 [sflag:s8], $0x0  }
0x24: {  	s3 =	sadd.s32 $0x88, s3;
	s6 =	simm.s32 @!p1 $0x1082;
	[sflag:s4] =	ssyncset.s32 $0xFFFFF086  }
0x25: {  	[simem:s6], [sflag:s4] =	dma.local [hbm:s3], $0xF7A  }
0x26: {  	[smem:$0x3F9E] =	sst s1;
	(tag) =	ssettag s2;
	_ =	strace s9  }
0x27: {  	s1 =	sld [smem:$0x3FAE]  }
0x28: {  	s2 =	sld [smem:$0x3FAF]  }
0x29: {  	s4 =	sld [smem:$0x3FB1]  }
0x2a: {  	p0 =	seq.s32 s5, $0x0;
	s5 =	sld [smem:$0x3FB2]  }
0x2b: {  	s6 =	sld [smem:$0x3FB3]  }
0x2c: {  	s7 =	sld [smem:$0x3FB4]  }
0x2d: {  	s3 =	simm.s32 $0x108;
	s8 =	sld [smem:$0x3FB5]  }
0x2e: {  	s3 =	simm.s32 @!p0 $0x1082;
	s9 =	sld [smem:$0x3FB6]  }
0x2f: {  	lr =	sadd.s32 s0, s3;
	s0 =	sld [smem:$0x3FAD]  }
0x30: {  	s3 =	sld [smem:$0x3FB0]  }
0x31: {  	[smem:$0x3FB9] =	sst s10  }
0x32: {  	s10 =	sld [smem:$0x3FB7];
	_ =	sdelay $0x3  }
0x33: {  	p0 =	seq.s32 s10, $0x1;
	s10 =	sld [smem:$0x3FB9];
	_ =	sdelay $0x3  }
0x34: {  	[smem:$0x3FB9] =	sst s10  }
0x35: {  	s10 =	sld [smem:$0x3FB8];
	_ =	sdelay $0x3  }
0x36: {  	p1 =	seq.s32 s10, $0x1;
	s10 =	sld [smem:$0x3FB9];
	_ =	sdelay $0x3  }
0x37: {  	[smem:$0x3FB9] =	sst s10  }
0x38: {  	s10 =	sld [smem:$0x3FBA]  }
0x39: {  	_ = 	snop;
	(pc) =	sbr.ind lr, $3  }
0x3a: {  	_ = 	snop  }
0x3b: {  	_ = 	snop  }
0x3c: {  	p2 =	seq.s32 s10, $0x1;
	s10 =	sld [smem:$0x3FB9]  }
0x3d: {  	_ =	shalt  }
0x3e: {  	_ =	shalt  }
0x3f: {  	_ =	shalt  }
0x40: {  	_ =	shalt  }
0x41: {  	_ =	shalt  }
0x42: {  	_ =	shalt  }
0x43: {  	_ =	shalt  }
0x44: {  	_ =	shalt  }
0x45: {  	_ =	shalt  }
0x46: {  	_ =	shalt  }
0x47: {  	_ =	shalt  }
0x48: {  	_ =	shalt  }
0x49: {  	_ =	shalt  }
0x4a: {  	_ =	shalt  }
0x4b: {  	_ =	shalt  }
0x4c: {  	_ =	shalt  }
0x4d: {  	_ =	shalt  }
0x4e: {  	_ =	shalt  }
0x4f: {  	_ =	shalt  }
0x50: {  	_ =	shalt  }
0x51: {  	_ =	shalt  }
0x52: {  	_ =	shalt  }
0x53: {  	_ =	shalt  }
0x54: {  	_ =	shalt  }
0x55: {  	_ =	shalt  }
0x56: {  	_ =	shalt  }
0x57: {  	_ =	shalt  }
0x58: {  	_ =	shalt  }
0x59: {  	_ =	shalt  }
0x5a: {  	_ =	shalt  }
0x5b: {  	_ =	shalt  }
0x5c: {  	_ =	shalt  }
0x5d: {  	_ =	shalt  }
0x5e: {  	_ =	shalt  }
0x5f: {  	_ =	shalt  }
0x60: {  	_ =	shalt  }
0x61: {  	_ =	shalt  }
0x62: {  	_ =	shalt  }
0x63: {  	_ =	shalt  }
0x64: {  	_ =	shalt  }
0x65: {  	_ =	shalt  }
0x66: {  	_ =	shalt  }
0x67: {  	_ =	shalt  }
0x68: {  	_ =	shalt  }
0x69: {  	_ =	shalt  }
0x6a: {  	_ =	shalt  }
0x6b: {  	_ =	shalt  }
0x6c: {  	_ =	shalt  }
0x6d: {  	_ =	shalt  }
0x6e: {  	_ =	shalt  }
0x6f: {  	_ =	shalt  }
0x70: {  	_ =	shalt  }
0x71: {  	_ =	shalt  }
0x72: {  	_ =	shalt  }
0x73: {  	_ =	shalt  }
0x74: {  	_ =	shalt  }
0x75: {  	_ =	shalt  }
0x76: {  	_ =	shalt  }
0x77: {  	_ =	shalt  }
0x78: {  	_ =	shalt  }
0x79: {  	_ =	shalt  }
0x7a: {  	_ =	shalt  }
0x7b: {  	_ =	shalt  }
0x7c: {  	_ =	shalt  }
0x7d: {  	_ =	shalt  }
0x7e: {  	_ =	shalt  }
0x7f: {  	_ =	shalt  }
0x80: {  	_ =	shalt  }
0x81: {  	_ =	shalt  }
0x82: {  	_ =	shalt  }
0x83: {  	_ =	shalt  }
0x84: {  	_ =	shalt  }
0x85: {  	_ =	shalt  }
0x86: {  	_ =	shalt  }
0x87: {  	_ =	shalt  }
.Lfunc_end0:
.L_simem_size_0:
called_computation_lowered:
.L_overlay_start_0:
0x88: {  	s2 =	sld [smem:$0x3FD9]  }
0x89: {  	s3 =	sld [smem:$0x3FFE];
	_ =	sdelay $0x1  }
0x8a: {  	s1 =	srdreg.scid  }
0x8b: {  	s0 =	sand.u32 $0x1, s1  }
0x8c: {  	s18 =	sshll.u32 s0, $0xA;
	s2 =	sadd.s32 s3, s2  }
0x8d: {  	s2 =	sadd.s32 s2, s18  }
0x8e: {  	[smem:$0x3FC5] =	sst s2  }
0x8f: {  	_ = 	snop  }
0x90: {  	s2 =	sld [smem:$0x3FC9]  }
0x91: {  	s19 =	sld [smem:$0x3FC8]  }
0x92: {  	s4 =	sld [smem:$0x3FC7]  }
0x93: {  	s5 =	sld [smem:$0x3FD0];
	(tm) =	ssettm $0x1  }
0x94: {  	s6 =	sld [smem:$0x3FFB];
	_ =	sdelay $0x3  }
0x95: {  	_ =	strace s6  }
0x96: {  	s6 =	sld [smem:$0x3FFC];
	_ =	sdelay $0x3  }
0x97: {  	_ =	strace s6  }
0x98: {  	s6 =	sld [smem:$0x3FFD];
	_ =	sdelay $0x3  }
0x99: {  	_ =	strace s6  }
0x9a: {  	_ =	strace $0x8FFFFFFF  }
0x9b: {  	s20 =	sld [smem:$0x3FDB];
	_ =	sdelay $0x1  }
0x9c: {  	s7 =	simm.s32 $_scs_section_size  }
0x9d: {  	s8 =	simm.s32 $_size__tile_overlayer_lowered;
	s9 =	simm.s32 $_tile_overlayer_lowered  }
0x9e: {  	s23 =	simm.s32 $0x1BFF;
	s22 =	sshll.u32 s9, $0x1;
	s6 =	sadd.s32 s7, s20  }
0x9f: {  	s10 =	simm.s32 $0x0;
	s21 =	sshll.u32 s8, $0x1;
	s8 =	sadd.s32 s22, s6  }
0xa0: {  	[timem:s10], [sflag:s23] =	dma.local [hbm:s8], s21  }
0xa1: {  	_ =	swait.ge [sflag:s23], s21  }
0xa2: {  	s7 =	ssub.s32 $0x0, s21;
	[sflag:s23] =	ssyncset.done $0x0  }
0xa3: {  	[sflag:s23] =	ssyncadd.s32 s7;
	_ =	sdelay $0x1  }
0xa4: {  	s24 =	simm.s32 $0x1B8B  }
0xa5: {  	_ =	swait.ge [sflag:s24], $0x1  }
0xa6: {  	[sflag:s24] =	ssyncset.done $0x0  }
0xa7: {  	s25 =	simm.s32 $0x1B8E;
	[sflag:s24] =	ssyncadd.s32 $0xFFFFFFFF  }
0xa8: {  	s26 =	simm.s32 $execute0_lowered;
	[smem:$0x3FD2] =	sst s25  }
0xa9: {  	s7 =	sshll.u32 s26, $0x1;
	_ =	strace $0x80000046;
	[dreg:$0x1] =	wrdreg $0xFFFFFFFF  }
0xaa: {  	s28 =	simm.s32 $_size_execute0_lowered;
	s6 =	sadd.s32 s6, s7;
	[dreg:$0x0] =	wrdreg $0x0  }
0xab: {  	s7 =	sshll.u32 s28, $0x1;
	[dreg:$0x2] =	wrdreg s6  }
0xac: {  	[dreg:$0x3] =	wrdreg s7  }
0xad: {  	[dreg:$0x4] =	wrdreg $0xC0  }
0xae: {  	_ =	task [dreg:s10], $0x5FFFF  }
0xaf: {  	[dreg:$0x1] =	wrdreg $0xFFFFFFFF  }
0xb0: {  	[dreg:$0x0] =	wrdreg $0x60  }
0xb1: {  	[dreg:$0x2] =	wrdreg s2  }
0xb2: {  	[dreg:$0x3] =	wrdreg s19  }
0xb3: {  	[dreg:$0x4] =	wrdreg s4  }
0xb4: {  	[dreg:$0x5] =	wrdreg s5  }
0xb5: {  	[dreg:$0x6] =	wrdreg $0x0  }
0xb6: {  	[dreg:$0x7] =	wrdreg $0x9CC00  }
0xb7: {  	[dreg:$0x8] =	wrdreg $0x9  }
0xb8: {  	_ =	task.clear_ibuf [dreg:s10], $0x9FFFF;
	_ =	strace $0x90000046  }
0xb9: {  	s29 =	simm.s32 $0x9;
	_ =	strace $0x80000048  }
0xba: {  	_ =	swait.ge [sflag:s29], $0x1  }
0xbb: {  	[sflag:s29] =	ssyncadd.s32 $0xFFFFFFFF  }
0xbc: {  	_ =	strace $0x90000048  }
0xbd: {  	_ =	sfence  }
0xbe: {  	s30 =	sld [smem:$0x0];
	_ =	sdelay $0x2  }
0xbf: {  	s31 =	sshll.u32 s1, $0xD;
	s1 =	sshrl.u32 s1, $0x2  }
0xc0: {  	s3 =	sand.u32 $0x4000, s31;
	s1 =	sadd.s32 s1, s30  }
0xc1: {  	s0 =	sor.u32 s3, s0;
	s1 =	sshll.u32 s1, $0x11  }
0xc2: {  	s0 =	sor.u32 s1, s0  }
0xc3: {  	s0 =	sadd.s32 $0x8F2B, s0  }
0xc4: {  	[sflag:s0] =	ssyncadd.remote.s32 $0x1  }
0xc5: {  	_ =	sfence.sel $0xFFFF  }
0xc6: {  	[dreg:$0x0] =	wrdreg $0xFFFFFFFF;
	(pc) =	sbr.abs _section_cstart, $3  }
0xc7: {  	[dreg:$0x1] =	wrdreg $0xFFFFFFFF  }
0xc8: {  	_ =	task.clear_ibuf [dreg:s10], $0x2FFFF;
	_ =	strace $0x9FFFFFFF  }
0xc9: {  	(tm) =	ssettm $0x7FFFFFFF  }
tec
execute0_lowered:
.L_overlay_start_1:
0x0: {  	(tag) =	ssettag $0x1  }
0x1: {  	s11 =	rddreg [dreg:$0x0]  }
0x2: {  	s1 =	rddreg [dreg:$0x1]  }
0x3: {  	s0 =	rddreg [dreg:$0x2]  }
0x4: {  	s12 =	rddreg [dreg:$0x3]  }
0x5: {  	s5 =	rddreg [dreg:$0x4];
	s2 =	srdreg.scid  }
0x6: {  	s6 =	rddreg [dreg:$0x5];
	s13 =	stileid.u32;
	s3 =	simm.s32 $0x0  }
0x7: {  	s28 =	simm.s32 $0x7;
	s29 =	simm.s32 $0x13D80;
	s9 =	smul.u32 $0x3E8, s13  }
0x8: {  	s30 =	simm.s32 $0x14680;
	s31 =	simm.s32 $0x40;
	s4 =	smul.u32 $0x1F400, s13  }
0x9: {  	s7 =	sand.u32 $0x1, s2;
	[smem:$0x7FF] =	sst s3;
	s21 =	smul.u32 $0x7D000, s13  }
0xa: {  	s22 =	sshll.u32 s13, $0xA;
	s23 =	sshll.u32 s13, $0x7;
	s24 =	smul.u32 $0x3E80, s13  }
0xb: {  	p0 =	sgt.u32 s13, $0x4;
	s2 =	smul.u32 $0x1388, s7;
	s19 =	ssub.s32 $0x2, s7  }
0xc: {  	_ =	strace $0x80000047;
	s0 =	sadd.s32 s0, s23;
	s25 =	sor.u32 $0x6, s7  }
0xd: {  	s18 =	sshll.u32 @!p0 s13, $0x6;
	s13 =	simm.s32 $0x17E80;
	s10 =	sshrl.u32 s19, $0x1  }
0xe: {  	s14 =	sadd.s32 s4, s5;
	s17 =	sadd.s32 s4, s6;
	[dreg:$0xa] =	wrdreg s0  }
0xf: {  	[dreg:$0xb] =	wrdreg s25;
	s26 =	sshrl.u32 s21, $0x2;
	s16 =	sadd.s32 s12, s24  }
0x10: {  	s21 =	simm.s32 $0x4;
	s8 =	sadd.s32 s9, s2;
	s3 =	ssub.s32 s19, s10  }
0x11: {  	s4 =	sadd.s32 s26, s5;
	s0 =	sadd.s32 s26, s6;
	s10 =	sor.u32 $0x30, s22  }
0x12: {  	[dreg:$0x8] =	wrdreg s14;
	s15 =	smov.u32 s17;
	s26 =	simm.s32 $0x15280  }
0x13: {  	v1 =	vmov s2;
	s2 =	simm.s32 $0x0;
	s8 =	sshll.u32 s8, $0x4;
	s3 =	smax.u32 s3, $0x1  }
0x14: {  	s24 =	sshrl.u32 s0, $0x3;
	s0 =	sshrl.u32 @!p0 s17, $0x3;
	[dreg:$0xc] =	wrdreg s3  }
0x15: {  	s23 =	sshrl.u32 @!p0 s4, $0x3;
	s8 =	sadd.s32 s11, s8;
	[dreg:$0x10] =	wrdreg s0  }
.Ltmp0:
0x16: {  	s3 =	sor.u32 @!p0 $0x1C01, s18;
	[dreg:$0x7] =	wrdreg s8;
	(pc) =	sbr.rel .LBB2_1-.Ltmp0, $4  }
0x17: {  	s17 =	simm.s32 $0x6;
	s20 =	sadd.s32 $0x27100, s8;
	[dreg:$0xd] =	wrdreg s3  }
0x18: {  	v0 =	vlaneseq.u32;
	s3 =	sshrl.u32 @!p0 s14, $0x3;
	s8 =	simm.s32 $0x14200;
	[dreg:$0x9] =	wrdreg s20  }
0x19: {  	v2 =	vimm.s32 $0x0;
	v3 =	vadd.s32 $0x1388, v0;
	s14 =	simm.s32 $0x5;
	[dreg:$0xe] =	wrdreg s3;
	s3 =	sor.u32 @!p0 $0x1C02, s18  }
0x1a: {  	v4 =	vor.u32 $0x10, v0;
	v5 =	vor.u32 $0x20, v0;
	v6 =	vor.u32 $0x30, v0;
	s20 =	simm.s32 $0x3;
	[dreg:$0xf] =	wrdreg s3;
	s3 =	simm.s32 $0x15E80  }
.LBB2_22:
0x1b: {  	_ =	swait.ge [sflag:s21], $0x3E80  }
0x1c: {  	[sflag:s21] =	ssyncset.done $0x0  }
0x1d: {  	[sflag:s21] =	ssyncadd.s32 $0xFFFFC180  }
.LBB2_23:
0x1e: {  	s2 =	rddreg [dreg:$0x11]  }
0x1f: {  	s0 =	rddreg [dreg:$0xc];
	s2 =	sadd.s32 $0x1, s2  }
0x20: {  	p1 =	sne.s32 s2, s0  }
.Ltmp1:
0x21: {  	_ = 	snop;
	(pc) =	sbr.rel @!p1 .LBB2_24-.Ltmp1, $1  }
0x22: {  	_ =	sdelay $0x3  }
.LBB2_1:
0x23: {  	[dreg:$0x11] =	wrdreg s2  }
0x24: {  	s0 =	rddreg [dreg:$0x7]  }
0x25: {  	s2 =	rddreg [dreg:$0xd]  }
0x26: {  	s4 =	rddreg [dreg:$0xe]  }
0x27: {  	[spmem:s4], [sflag:s2] =	dma.local @!p0 [hbm:s0], $0x3E80  }
0x28: {  	s0 =	rddreg [dreg:$0x9]  }
0x29: {  	s2 =	rddreg [dreg:$0xf]  }
0x2a: {  	s4 =	rddreg [dreg:$0x10]  }
0x2b: {  	[spmem:s4], [sflag:s2] =	dma.local @!p0 [hbm:s0], $0x3E80  }
0x2c: {  	s22 =	simm.s32 $0x0;
	s25 =	simm.s32 $0x13980;
	s2 =	rddreg [dreg:$0xa]  }
0x2d: {  	[tilespmem:s25], [sflag:$0x7] =	stream.linear.gather [hbm4b:s2+s22], $0x400, $0x38;
	[tilespmem:$0x19E80] =	vst v63  }
0x2e: {  	_ =	swait.ge [sflag:s28], $0x400  }
0x2f: {  	s11 =	simm.s32 $0x139A0;
	[sflag:s28] =	ssyncset.done $0x0  }
0x30: {  	v7 =	vimm.s32 $0x0;
	s4 =	smov.u32 s10;
	s2 =	simm.s32 $0xFFFFFFFC;
	[sflag:s28] =	ssyncadd.s32 $0xFFFFFC00  }
.LBB2_2:
0x31: {  	v8 =	vld [tilespmem:s11+$0xFFFFFFE0];
	_ =	sdelay $0x4  }
0x32: {  	v8 =	vsub.s32 v8, v1  }
0x33: {  	vm0 =	vlt.u32 v8, $0x1388  }
0x34: {  	v9 =	vsel vm0, $0x1, v2  }
0x35: {  	(xrf0) =	vadd.scan.msk.s32 $0xffff, v9;
	_ =	sdelay $0x4  }
0x36: {  	v44 =	vsel vm0, $0xFFFFFFFF, v2  }
0x37: {  	v9 =	vadd.s32 v44, v7;
	v10, _, _ =	vpop (xrf0)  }
0x38: {  	v9 =	vadd.s32 v10, v9  }
0x39: {  	v10 =	vshll.u32 v9, $0x1  }
0x3a: {  	v11 =	vand.u32 $0x3F, v9;
	v10 =	vand.u32 $0xFFFFFF80, v10  }
0x3b: {  	v10 =	vor.u32 v11, v10;
	_ =	sdelay $0x1  }
0x3c: {  	s0 =	sadd.s32 $0xFFFFFFD0, s4  }
0x3d: {  	v45 =	vor.u32 s0, v0  }
0x3e: {  	[tilespmem:v9+s29+$0x0] =	vst.idx.msk vm0, v45  }
0x3f: {  	[tilespmem:v10+s30+$0x0] =	vst.idx.msk vm0, v8  }
0x40: {  	v8 =	vld [tilespmem:s11+$0xFFFFFFF0];
	_ =	sdelay $0x4  }
0x41: {  	v8 =	vsub.s32 v8, v1  }
0x42: {  	vm1 =	vlt.u32 v8, $0x1388  }
0x43: {  	v46 =	vsel vm1, $0x1, v2  }
0x44: {  	(xrf0) =	vadd.scan.msk.s32 $0xffff, v46;
	_ =	sdelay $0x2  }
0x45: {  	v47 =	vmpcnt.ones.xlane vm0;
	_ =	sdelay $0x1  }
0x46: {  	v7 =	vadd.s32 v7, v47;
	v48 =	vsel vm1, $0xFFFFFFFF, v2  }
0x47: {  	v9 =	vadd.s32 v48, v7;
	v49, _, _ =	vpop (xrf0)  }
0x48: {  	v9 =	vadd.s32 v49, v9  }
0x49: {  	v10 =	vshll.u32 v9, $0x1  }
0x4a: {  	v50 =	vand.u32 $0x3F, v9;
	v10 =	vand.u32 $0xFFFFFF80, v10  }
0x4b: {  	v10 =	vor.u32 v50, v10;
	_ =	sdelay $0x1  }
0x4c: {  	s22 =	sadd.s32 $0xFFFFFFE0, s4  }
0x4d: {  	v51 =	vor.u32 s22, v0  }
0x4e: {  	[tilespmem:v9+s29+$0x0] =	vst.idx.msk vm1, v51  }
0x4f: {  	[tilespmem:v10+s30+$0x0] =	vst.idx.msk vm1, v8  }
0x50: {  	v8 =	vld [tilespmem:s11+$0x0];
	_ =	sdelay $0x4  }
0x51: {  	v8 =	vsub.s32 v8, v1  }
0x52: {  	vm14 =	vlt.u32 v8, $0x1388  }
0x53: {  	v52 =	vsel vm14, $0x1, v2  }
0x54: {  	(xrf0) =	vadd.scan.msk.s32 $0xffff, v52;
	_ =	sdelay $0x2  }
0x55: {  	v53 =	vmpcnt.ones.xlane vm1;
	_ =	sdelay $0x1  }
0x56: {  	v7 =	vadd.s32 v7, v53;
	v54 =	vsel vm14, $0xFFFFFFFF, v2  }
0x57: {  	v9 =	vadd.s32 v54, v7;
	v55, _, _ =	vpop (xrf0)  }
0x58: {  	v9 =	vadd.s32 v55, v9  }
0x59: {  	v10 =	vshll.u32 v9, $0x1  }
0x5a: {  	v56 =	vand.u32 $0x3F, v9;
	v10 =	vand.u32 $0xFFFFFF80, v10  }
0x5b: {  	v10 =	vor.u32 v56, v10;
	_ =	sdelay $0x1  }
0x5c: {  	s25 =	sadd.s32 $0xFFFFFFF0, s4  }
0x5d: {  	v57 =	vor.u32 s25, v0  }
0x5e: {  	[tilespmem:v9+s29+$0x0] =	vst.idx.msk vm14, v57  }
0x5f: {  	[tilespmem:v10+s30+$0x0] =	vst.idx.msk vm14, v8  }
0x60: {  	v8 =	vld [tilespmem:s11+$0x10];
	_ =	sdelay $0x4  }
0x61: {  	v8 =	vsub.s32 v8, v1  }
0x62: {  	vm15 =	vlt.u32 v8, $0x1388  }
0x63: {  	v58 =	vsel vm15, $0x1, v2  }
0x64: {  	(xrf0) =	vadd.scan.msk.s32 $0xffff, v58;
	_ =	sdelay $0x2  }
0x65: {  	v59 =	vmpcnt.ones.xlane vm14;
	_ =	sdelay $0x1  }
0x66: {  	v7 =	vadd.s32 v7, v59;
	v60 =	vsel vm15, $0xFFFFFFFF, v2  }
0x67: {  	v9 =	vadd.s32 v60, v7;
	v61, _, _ =	vpop (xrf0)  }
0x68: {  	v9 =	vadd.s32 v61, v9  }
0x69: {  	v10 =	vshll.u32 v9, $0x1  }
0x6a: {  	s2 =	sadd.s32 $0x4, s2;
	v62 =	vand.u32 $0x3F, v9;
	v10 =	vand.u32 $0xFFFFFF80, v10  }
0x6b: {  	p1 =	slt.u32 s2, $0x3C;
	v10 =	vor.u32 v62, v10  }
.Ltmp2:
0x6c: {  	_ = 	snop;
	(pc) =	sbr.rel @p1 .LBB2_2-.Ltmp2, $4  }
0x6d: {  	_ = 	snop  }
0x6e: {  	v63 =	vor.u32 s4, v0;
	v12 =	vmpcnt.ones.xlane vm15  }
0x6f: {  	[tilespmem:v9+s29+$0x0] =	vst.idx.msk vm15, v63  }
0x70: {  	s4 =	sadd.s32 $0x40, s4;
	s11 =	sadd.s32 $0x40, s11;
	v7 =	vadd.s32 v7, v12;
	[tilespmem:v10+s30+$0x0] =	vst.idx.msk vm15, v8  }
0x71: {  	v7 =	vxor.u32 $0x80000000, v7  }
0x72: {  	(xrf0) =	vmax.scan.msk.u32 $0xffff, v7;
	_ =	sdelay $0x5  }
0x73: {  	v7, _, _ =	vpop (xrf0)  }
0x74: {  	(v2sf) =	vpush v7, $0xF;
	_ =	sdelay $0xe  }
0x75: {  	s0 =	spop (v2sf)  }
0x76: {  	s0 =	sxor.u32 $0x80000000, s0  }
0x77: {  	v7 =	vadd.s32 s0, v0  }
0x78: {  	v8 =	vshll.u32 v7, $0x1  }
0x79: {  	v10 =	vadd.s32 s0, v4;
	v9 =	vand.u32 $0x3F, v7;
	v8 =	vand.u32 $0xFFFFFF80, v8  }
0x7a: {  	v61 =	vshll.u32 v10, $0x1;
	v8 =	vor.u32 v9, v8  }
0x7b: {  	v12 =	vadd.s32 s0, v5;
	v11 =	vand.u32 $0x3F, v10;
	v9 =	vand.u32 $0xFFFFFF80, v61  }
0x7c: {  	v62 =	vshll.u32 v12, $0x1;
	v9 =	vor.u32 v11, v9  }
0x7d: {  	v14 =	vadd.s32 s0, v6;
	v13 =	vand.u32 $0x3F, v12;
	v11 =	vand.u32 $0xFFFFFF80, v62  }
0x7e: {  	v63 =	vshll.u32 v14, $0x1;
	[tilespmem:v7+s29+$0x0] =	vst.idx.msk $0xffff, v0;
	v7 =	vor.u32 v13, v11  }
0x7f: {  	v11 =	vand.u32 $0xFFFFFF80, v63;
	[tilespmem:v8+s30+$0x0] =	vst.idx.msk $0xffff, v3;
	v8 =	vand.u32 $0x3F, v14  }
0x80: {  	[tilespmem:v10+s29+$0x0] =	vst.idx.msk $0xffff, v4;
	v8 =	vor.u32 v8, v11  }
0x81: {  	[tilespmem:v9+s30+$0x0] =	vst.idx.msk $0xffff, v3  }
.Ltmp3:
0x82: {  	[tilespmem:v12+s29+$0x0] =	vst.idx.msk $0xffff, v5;
	(pc) =	sbr.rel .LBB2_4-.Ltmp3, $4  }
0x83: {  	[tilespmem:v7+s30+$0x0] =	vst.idx.msk $0xffff, v3  }
0x84: {  	[tilespmem:v14+s29+$0x0] =	vst.idx.msk $0xffff, v6  }
0x85: {  	s22 =	simm.s32 $0x0;
	[smem:$0x0] =	sst s0;
	[tilespmem:v8+s30+$0x0] =	vst.idx.msk $0xffff, v3  }
0x86: {  	[tilespmem:s3], [sflag:$0x5] =	stream.indirect.gather [hbm4b:s1+s31], $0x80, s29, s31, $0xb8;
	[tilespmem:$0x19E80] =	vst v63  }
.LBB2_21:
0x87: {  	s22 =	sadd.s32 $0x1, s22  }
0x88: {  	p1 =	seq.s32 s22, $0x5  }
.Ltmp4:
0x89: {  	_ = 	snop;
	(pc) =	sbr.rel @p1 .LBB2_23-.Ltmp4, $1  }
0x8a: {  	_ =	sdelay $0x3  }
.LBB2_4:
0x8b: {  	s25 =	sshll.u32 s22, $0x2  }
0x8c: {  	s2 =	sor.u32 s7, s25  }
0x8d: {  	s0 =	smul.u32 $0x1388, s2;
	_ =	sdelay $0x1  }
0x8e: {  	s11 =	sadd.s32 $0x2710, s0  }
0x8f: {  	v8 =	vimm.s32 $0x0;
	s4 =	simm.s32 $0xFFFFFFFC;
	s19 =	smov.u32 s10;
	s0 =	simm.s32 $0x139A0;
	v7 =	vmov s11  }
.LBB2_5:
0x90: {  	v9 =	vld [tilespmem:s0+$0xFFFFFFE0];
	_ =	sdelay $0x4  }
0x91: {  	v9 =	vsub.s32 v9, v7  }
0x92: {  	vm0 =	vlt.u32 v9, $0x1388  }
0x93: {  	v10 =	vsel vm0, $0x1, v2  }
0x94: {  	(xrf0) =	vadd.scan.msk.s32 $0xffff, v10;
	_ =	sdelay $0x4  }
0x95: {  	v10 =	vsel vm0, $0xFFFFFFFF, v2  }
0x96: {  	v10 =	vadd.s32 v10, v8;
	v11, _, _ =	vpop (xrf0)  }
0x97: {  	v10 =	vadd.s32 v11, v10  }
0x98: {  	v11 =	vshll.u32 v10, $0x1  }
0x99: {  	v12 =	vand.u32 $0x3F, v10;
	v11 =	vand.u32 $0xFFFFFF80, v11  }
0x9a: {  	v11 =	vor.u32 v12, v11;
	_ =	sdelay $0x1  }
0x9b: {  	s12 =	sadd.s32 $0xFFFFFFD0, s19  }
0x9c: {  	v57 =	vor.u32 s12, v0  }
0x9d: {  	[tilespmem:v10+s8+$0x0] =	vst.idx.msk vm0, v57  }
0x9e: {  	[tilespmem:v11+s26+$0x0] =	vst.idx.msk vm0, v9  }
0x9f: {  	v9 =	vld [tilespmem:s0+$0xFFFFFFF0];
	_ =	sdelay $0x4  }
0xa0: {  	v9 =	vsub.s32 v9, v7  }
0xa1: {  	vm1 =	vlt.u32 v9, $0x1388  }
0xa2: {  	v10 =	vsel vm1, $0x1, v2  }
0xa3: {  	(xrf0) =	vadd.scan.msk.s32 $0xffff, v10;
	_ =	sdelay $0x2  }
0xa4: {  	v10 =	vmpcnt.ones.xlane vm0;
	_ =	sdelay $0x1  }
0xa5: {  	v8 =	vadd.s32 v8, v10;
	v10 =	vsel vm1, $0xFFFFFFFF, v2  }
0xa6: {  	v10 =	vadd.s32 v10, v8;
	v11, _, _ =	vpop (xrf0)  }
0xa7: {  	v10 =	vadd.s32 v11, v10  }
0xa8: {  	v11 =	vshll.u32 v10, $0x1  }
0xa9: {  	v58 =	vand.u32 $0x3F, v10;
	v11 =	vand.u32 $0xFFFFFF80, v11  }
0xaa: {  	v11 =	vor.u32 v58, v11;
	_ =	sdelay $0x1  }
0xab: {  	s12 =	sadd.s32 $0xFFFFFFE0, s19  }
0xac: {  	v59 =	vor.u32 s12, v0  }
0xad: {  	[tilespmem:v10+s8+$0x0] =	vst.idx.msk vm1, v59  }
0xae: {  	[tilespmem:v11+s26+$0x0] =	vst.idx.msk vm1, v9  }
0xaf: {  	v9 =	vld [tilespmem:s0+$0x0];
	_ =	sdelay $0x4  }
0xb0: {  	v9 =	vsub.s32 v9, v7  }
0xb1: {  	vm14 =	vlt.u32 v9, $0x1388  }
0xb2: {  	v10 =	vsel vm14, $0x1, v2  }
0xb3: {  	(xrf0) =	vadd.scan.msk.s32 $0xffff, v10;
	_ =	sdelay $0x2  }
0xb4: {  	v10 =	vmpcnt.ones.xlane vm1;
	_ =	sdelay $0x1  }
0xb5: {  	v8 =	vadd.s32 v8, v10;
	v10 =	vsel vm14, $0xFFFFFFFF, v2  }
0xb6: {  	v10 =	vadd.s32 v10, v8;
	v11, _, _ =	vpop (xrf0)  }
0xb7: {  	v10 =	vadd.s32 v11, v10  }
0xb8: {  	v11 =	vshll.u32 v10, $0x1  }
0xb9: {  	v60 =	vand.u32 $0x3F, v10;
	v11 =	vand.u32 $0xFFFFFF80, v11  }
0xba: {  	v11 =	vor.u32 v60, v11;
	_ =	sdelay $0x1  }
0xbb: {  	s12 =	sadd.s32 $0xFFFFFFF0, s19  }
0xbc: {  	v61 =	vor.u32 s12, v0  }
0xbd: {  	[tilespmem:v10+s8+$0x0] =	vst.idx.msk vm14, v61  }
0xbe: {  	[tilespmem:v11+s26+$0x0] =	vst.idx.msk vm14, v9  }
0xbf: {  	v9 =	vld [tilespmem:s0+$0x10];
	_ =	sdelay $0x4  }
0xc0: {  	v9 =	vsub.s32 v9, v7  }
0xc1: {  	vm15 =	vlt.u32 v9, $0x1388  }
0xc2: {  	v10 =	vsel vm15, $0x1, v2  }
0xc3: {  	(xrf0) =	vadd.scan.msk.s32 $0xffff, v10;
	_ =	sdelay $0x2  }
0xc4: {  	v10 =	vmpcnt.ones.xlane vm14;
	_ =	sdelay $0x1  }
0xc5: {  	v8 =	vadd.s32 v8, v10;
	v10 =	vsel vm15, $0xFFFFFFFF, v2  }
0xc6: {  	v10 =	vadd.s32 v10, v8;
	v11, _, _ =	vpop (xrf0)  }
0xc7: {  	v10 =	vadd.s32 v11, v10  }
0xc8: {  	v11 =	vshll.u32 v10, $0x1  }
0xc9: {  	s4 =	sadd.s32 $0x4, s4;
	v62 =	vand.u32 $0x3F, v10;
	v11 =	vand.u32 $0xFFFFFF80, v11  }
0xca: {  	p1 =	slt.u32 s4, $0x3C;
	v11 =	vor.u32 v62, v11  }
.Ltmp5:
0xcb: {  	_ = 	snop;
	(pc) =	sbr.rel @p1 .LBB2_5-.Ltmp5, $4  }
0xcc: {  	_ = 	snop  }
0xcd: {  	v63 =	vor.u32 s19, v0;
	v13 =	vmpcnt.ones.xlane vm15  }
0xce: {  	[tilespmem:v10+s8+$0x0] =	vst.idx.msk vm15, v63  }
0xcf: {  	s19 =	sadd.s32 $0x40, s19;
	s0 =	sadd.s32 $0x40, s0;
	v8 =	vadd.s32 v8, v13;
	[tilespmem:v11+s26+$0x0] =	vst.idx.msk vm15, v9  }
0xd0: {  	v7 =	vxor.u32 $0x80000000, v8  }
0xd1: {  	(xrf0) =	vmax.scan.msk.u32 $0xffff, v7;
	_ =	sdelay $0x5  }
0xd2: {  	v7, _, _ =	vpop (xrf0)  }
0xd3: {  	(v2sf) =	vpush v7, $0xF;
	_ =	sdelay $0xe  }
0xd4: {  	s0 =	spop (v2sf)  }
0xd5: {  	s0 =	sxor.u32 $0x80000000, s0  }
0xd6: {  	v7 =	vadd.s32 s0, v0  }
0xd7: {  	v8 =	vshll.u32 v7, $0x1  }
0xd8: {  	v10 =	vadd.s32 s0, v4;
	v9 =	vand.u32 $0x3F, v7;
	v8 =	vand.u32 $0xFFFFFF80, v8  }
0xd9: {  	v61 =	vshll.u32 v10, $0x1;
	v8 =	vor.u32 v9, v8  }
0xda: {  	v12 =	vadd.s32 s0, v5;
	v11 =	vand.u32 $0x3F, v10;
	v9 =	vand.u32 $0xFFFFFF80, v61  }
0xdb: {  	v62 =	vshll.u32 v12, $0x1;
	v9 =	vor.u32 v11, v9  }
0xdc: {  	v14 =	vadd.s32 s0, v6;
	v13 =	vand.u32 $0x3F, v12;
	v11 =	vand.u32 $0xFFFFFF80, v62  }
0xdd: {  	v63 =	vshll.u32 v14, $0x1;
	[tilespmem:v7+s8+$0x0] =	vst.idx.msk $0xffff, v0;
	v7 =	vor.u32 v13, v11  }
0xde: {  	v11 =	vand.u32 $0xFFFFFF80, v63;
	[tilespmem:v8+s26+$0x0] =	vst.idx.msk $0xffff, v3;
	v8 =	vand.u32 $0x3F, v14  }
0xdf: {  	[tilespmem:v10+s8+$0x0] =	vst.idx.msk $0xffff, v4;
	v8 =	vor.u32 v8, v11  }
0xe0: {  	[tilespmem:v9+s26+$0x0] =	vst.idx.msk $0xffff, v3  }
0xe1: {  	[tilespmem:v12+s8+$0x0] =	vst.idx.msk $0xffff, v5  }
0xe2: {  	[tilespmem:v7+s26+$0x0] =	vst.idx.msk $0xffff, v3  }
0xe3: {  	[tilespmem:v14+s8+$0x0] =	vst.idx.msk $0xffff, v6  }
0xe4: {  	[smem:$0x1] =	sst s0;
	s0 =	simm.s32 @!p0 $0x1;
	[tilespmem:v8+s26+$0x0] =	vst.idx.msk $0xffff, v3  }
0xe5: {  	[tilespmem:s13], [sflag:$0x6] =	stream.indirect.gather [hbm4b:s1+s31], $0x80, s8, s31, $0xb8;
	[tilespmem:$0x19E80] =	vst v63  }
0xe6: {  	_ =	swait.ge @!p0 [sflag:s0], $0x3E80  }
0xe7: {  	[sflag:s0] =	ssyncset.done @!p0 $0x0  }
0xe8: {  	[sflag:s0] =	ssyncadd.s32 @!p0 $0xFFFFC180  }
0xe9: {  	[bflag:$0x0] =	sbarrier.arrive $0xFFFF  }
0xea: {  	_ =	swait.ge [sflag:s14], $0x2000  }
0xeb: {  	[sflag:s14] =	ssyncset.done $0x0  }
0xec: {  	[sflag:s14] =	ssyncadd.s32 $0xFFFFE000  }
0xed: {  	[spmem:s5] =	stream.indirect.scatter.add.f32 [tilespmem:s3], [sflag:$0x7], $0x80, s30, s31, $0xb8;
	[tilespmem:$0x19E80] =	vst v63  }
0xee: {  	_ =	swait.ge [sflag:s28], $0x2000  }
0xef: {  	[sflag:s28] =	ssyncset.done $0x0  }
0xf0: {  	[sflag:s28] =	ssyncadd.s32 $0xFFFFE000  }
0xf1: {  	s19 =	sld [smem:$0x0];
	_ =	sdelay $0x2  }
0xf2: {  	s0 =	sadd.s32 $0x3F, s19  }
0xf3: {  	s4 =	sshra.s32 s0, $0x6  }
0xf4: {  	p1 =	slt.s32 s4, $0x2  }
.Ltmp6:
0xf5: {  	_ = 	snop;
	(pc) =	sbr.rel @p1 .LBB2_10-.Ltmp6, $1  }
0xf6: {  	_ =	sdelay $0x3  }
0xf7: {  	s0 =	simm.s32 $0x13DC0;
	s12 =	sadd.s32 $0xFFFFFFFF, s4  }
0xf8: {  	[tilespmem:s3], [sflag:$0x7] =	stream.indirect.gather [hbm4b:s1+s31], $0x80, s0, s31, $0xb8;
	[tilespmem:$0x19E80] =	vst v63  }
0xf9: {  	p1 =	sne.s32 s12, $0x1;
	_ =	swait.ge [sflag:s28], $0x2000  }
.Ltmp7:
0xfa: {  	[sflag:s28] =	ssyncset.done $0x0;
	(pc) =	sbr.rel @!p1 .LBB2_9-.Ltmp7, $4  }
0xfb: {  	s4 =	simm.s32 $0x14700;
	[sflag:s28] =	ssyncadd.s32 $0xFFFFE000  }
0xfc: {  	[spmem:s5] =	stream.indirect.scatter.add.f32 [tilespmem:s3], [sflag:$0x7], $0x80, s4, s31, $0xb8;
	[tilespmem:$0x19E80] =	vst v63  }
0xfd: {  	_ =	swait.ge [sflag:s28], $0x2000  }
0xfe: {  	s19 =	sadd.s32 $0xFFFFFFFF, s12;
	[sflag:s28] =	ssyncset.done $0x0  }
.LBB2_8:
0xff: {  	[sflag:s28] =	ssyncadd.s32 $0xFFFFE000;
	s4 =	sadd.s32 $0x80, s4;
	s0 =	sadd.s32 $0x40, s0  }
0x100: {  	[tilespmem:s3], [sflag:$0x7] =	stream.indirect.gather [hbm4b:s1+s31], $0x80, s0, s31, $0xb8;
	[tilespmem:$0x19E80] =	vst v63  }
0x101: {  	p1 =	sne.s32 s19, $0x1;
	s19 =	sadd.s32 $0xFFFFFFFF, s19;
	_ =	swait.ge [sflag:s28], $0x2000  }
.Ltmp8:
0x102: {  	[sflag:s28] =	ssyncset.done $0x0;
	(pc) =	sbr.rel @p1 .LBB2_8-.Ltmp8, $4  }
0x103: {  	[sflag:s28] =	ssyncadd.s32 $0xFFFFE000  }
0x104: {  	[spmem:s5] =	stream.indirect.scatter.add.f32 [tilespmem:s3], [sflag:$0x7], $0x80, s4, s31, $0xb8;
	[tilespmem:$0x19E80] =	vst v63  }
0x105: {  	_ =	swait.ge [sflag:s28], $0x2000  }
0x106: {  	[sflag:s28] =	ssyncset.done $0x0  }
.LBB2_9:
0x107: {  	[sflag:s28] =	ssyncadd.s32 $0xFFFFE000  }
.LBB2_10:
0x108: {  	s0 =	smul.u32 @!p0 $0x13880, s2;
	p1 =	seq.s32 s22, $0x4  }
.Ltmp9:
0x109: {  	_ = 	snop;
	(pc) =	sbr.rel @p1 .LBB2_14-.Ltmp9, $4  }
0x10a: {  	[bflag:$0x0] =	sbarrier.arrive $0xFFFF  }
0x10b: {  	s2 =	sor.u32 @!p0 $0x1C03, s18;
	s19 =	sshll.u32 s22, $0x1;
	s0 =	sadd.s32 @!p0 s16, s0  }
0x10c: {  	[hbm:s0], [sflag:s2] =	dma.local @!p0 [spmem:s23], $0x3E80  }
0x10d: {  	s2 =	sadd.s32 $0x2, s19  }
0x10e: {  	s0 =	sshll.u32 s2, $0x1  }
0x10f: {  	s0 =	sor.u32 s7, s0  }
0x110: {  	s0 =	smul.u32 $0x1388, s0;
	_ =	sdelay $0x1  }
0x111: {  	v8 =	vimm.s32 $0x0;
	s4 =	simm.s32 $0xFFFFFFFC;
	s19 =	smov.u32 s10;
	v7 =	vmov s0;
	s0 =	simm.s32 $0x139A0  }
.LBB2_12:
0x112: {  	v9 =	vld [tilespmem:s0+$0xFFFFFFE0];
	_ =	sdelay $0x4  }
0x113: {  	v9 =	vsub.s32 v9, v7  }
0x114: {  	vm0 =	vlt.u32 v9, $0x1388  }
0x115: {  	v10 =	vsel vm0, $0x1, v2  }
0x116: {  	(xrf0) =	vadd.scan.msk.s32 $0xffff, v10;
	_ =	sdelay $0x4  }
0x117: {  	v10 =	vsel vm0, $0xFFFFFFFF, v2  }
0x118: {  	v10 =	vadd.s32 v10, v8;
	v11, _, _ =	vpop (xrf0)  }
0x119: {  	v10 =	vadd.s32 v11, v10  }
0x11a: {  	v11 =	vshll.u32 v10, $0x1  }
0x11b: {  	v12 =	vand.u32 $0x3F, v10;
	v11 =	vand.u32 $0xFFFFFF80, v11  }
0x11c: {  	v11 =	vor.u32 v12, v11;
	_ =	sdelay $0x1  }
0x11d: {  	s12 =	sadd.s32 $0xFFFFFFD0, s19  }
0x11e: {  	v57 =	vor.u32 s12, v0  }
0x11f: {  	[tilespmem:v10+s29+$0x0] =	vst.idx.msk vm0, v57  }
0x120: {  	[tilespmem:v11+s30+$0x0] =	vst.idx.msk vm0, v9  }
0x121: {  	v9 =	vld [tilespmem:s0+$0xFFFFFFF0];
	_ =	sdelay $0x4  }
0x122: {  	v9 =	vsub.s32 v9, v7  }
0x123: {  	vm1 =	vlt.u32 v9, $0x1388  }
0x124: {  	v10 =	vsel vm1, $0x1, v2  }
0x125: {  	(xrf0) =	vadd.scan.msk.s32 $0xffff, v10;
	_ =	sdelay $0x2  }
0x126: {  	v10 =	vmpcnt.ones.xlane vm0;
	_ =	sdelay $0x1  }
0x127: {  	v8 =	vadd.s32 v8, v10;
	v10 =	vsel vm1, $0xFFFFFFFF, v2  }
0x128: {  	v10 =	vadd.s32 v10, v8;
	v11, _, _ =	vpop (xrf0)  }
0x129: {  	v10 =	vadd.s32 v11, v10  }
0x12a: {  	v11 =	vshll.u32 v10, $0x1  }
0x12b: {  	v58 =	vand.u32 $0x3F, v10;
	v11 =	vand.u32 $0xFFFFFF80, v11  }
0x12c: {  	v11 =	vor.u32 v58, v11;
	_ =	sdelay $0x1  }
0x12d: {  	s12 =	sadd.s32 $0xFFFFFFE0, s19  }
0x12e: {  	v59 =	vor.u32 s12, v0  }
0x12f: {  	[tilespmem:v10+s29+$0x0] =	vst.idx.msk vm1, v59  }
0x130: {  	[tilespmem:v11+s30+$0x0] =	vst.idx.msk vm1, v9  }
0x131: {  	v9 =	vld [tilespmem:s0+$0x0];
	_ =	sdelay $0x4  }
0x132: {  	v9 =	vsub.s32 v9, v7  }
0x133: {  	vm14 =	vlt.u32 v9, $0x1388  }
0x134: {  	v10 =	vsel vm14, $0x1, v2  }
0x135: {  	(xrf0) =	vadd.scan.msk.s32 $0xffff, v10;
	_ =	sdelay $0x2  }
0x136: {  	v10 =	vmpcnt.ones.xlane vm1;
	_ =	sdelay $0x1  }
0x137: {  	v8 =	vadd.s32 v8, v10;
	v10 =	vsel vm14, $0xFFFFFFFF, v2  }
0x138: {  	v10 =	vadd.s32 v10, v8;
	v11, _, _ =	vpop (xrf0)  }
0x139: {  	v10 =	vadd.s32 v11, v10  }
0x13a: {  	v11 =	vshll.u32 v10, $0x1  }
0x13b: {  	v60 =	vand.u32 $0x3F, v10;
	v11 =	vand.u32 $0xFFFFFF80, v11  }
0x13c: {  	v11 =	vor.u32 v60, v11;
	_ =	sdelay $0x1  }
0x13d: {  	s12 =	sadd.s32 $0xFFFFFFF0, s19  }
0x13e: {  	v61 =	vor.u32 s12, v0  }
0x13f: {  	[tilespmem:v10+s29+$0x0] =	vst.idx.msk vm14, v61  }
0x140: {  	[tilespmem:v11+s30+$0x0] =	vst.idx.msk vm14, v9  }
0x141: {  	v9 =	vld [tilespmem:s0+$0x10];
	_ =	sdelay $0x4  }
0x142: {  	v9 =	vsub.s32 v9, v7  }
0x143: {  	vm15 =	vlt.u32 v9, $0x1388  }
0x144: {  	v10 =	vsel vm15, $0x1, v2  }
0x145: {  	(xrf0) =	vadd.scan.msk.s32 $0xffff, v10;
	_ =	sdelay $0x2  }
0x146: {  	v10 =	vmpcnt.ones.xlane vm14;
	_ =	sdelay $0x1  }
0x147: {  	v8 =	vadd.s32 v8, v10;
	v10 =	vsel vm15, $0xFFFFFFFF, v2  }
0x148: {  	v10 =	vadd.s32 v10, v8;
	v11, _, _ =	vpop (xrf0)  }
0x149: {  	v10 =	vadd.s32 v11, v10  }
0x14a: {  	v11 =	vshll.u32 v10, $0x1  }
0x14b: {  	s4 =	sadd.s32 $0x4, s4;
	v62 =	vand.u32 $0x3F, v10;
	v11 =	vand.u32 $0xFFFFFF80, v11  }
0x14c: {  	p2 =	slt.u32 s4, $0x3C;
	v11 =	vor.u32 v62, v11  }
.Ltmp10:
0x14d: {  	_ = 	snop;
	(pc) =	sbr.rel @p2 .LBB2_12-.Ltmp10, $4  }
0x14e: {  	_ = 	snop  }
0x14f: {  	v63 =	vor.u32 s19, v0;
	v13 =	vmpcnt.ones.xlane vm15  }
0x150: {  	[tilespmem:v10+s29+$0x0] =	vst.idx.msk vm15, v63  }
0x151: {  	s19 =	sadd.s32 $0x40, s19;
	s0 =	sadd.s32 $0x40, s0;
	v8 =	vadd.s32 v8, v13;
	[tilespmem:v11+s30+$0x0] =	vst.idx.msk vm15, v9  }
0x152: {  	v7 =	vxor.u32 $0x80000000, v8  }
0x153: {  	(xrf0) =	vmax.scan.msk.u32 $0xffff, v7;
	_ =	sdelay $0x5  }
0x154: {  	v7, _, _ =	vpop (xrf0)  }
0x155: {  	(v2sf) =	vpush v7, $0xF;
	_ =	sdelay $0xe  }
0x156: {  	s0 =	spop (v2sf)  }
0x157: {  	s0 =	sxor.u32 $0x80000000, s0  }
0x158: {  	v7 =	vadd.s32 s0, v0  }
0x159: {  	v8 =	vshll.u32 v7, $0x1  }
0x15a: {  	v10 =	vadd.s32 s0, v4;
	v9 =	vand.u32 $0x3F, v7;
	v8 =	vand.u32 $0xFFFFFF80, v8  }
0x15b: {  	v61 =	vshll.u32 v10, $0x1;
	v8 =	vor.u32 v9, v8  }
0x15c: {  	v12 =	vadd.s32 s0, v5;
	v11 =	vand.u32 $0x3F, v10;
	v9 =	vand.u32 $0xFFFFFF80, v61  }
0x15d: {  	v62 =	vshll.u32 v12, $0x1;
	v9 =	vor.u32 v11, v9  }
0x15e: {  	v14 =	vadd.s32 s0, v6;
	v13 =	vand.u32 $0x3F, v12;
	v11 =	vand.u32 $0xFFFFFF80, v62  }
0x15f: {  	v63 =	vshll.u32 v14, $0x1;
	[tilespmem:v7+s29+$0x0] =	vst.idx.msk $0xffff, v0;
	v7 =	vor.u32 v13, v11  }
0x160: {  	v11 =	vand.u32 $0xFFFFFF80, v63;
	[tilespmem:v8+s30+$0x0] =	vst.idx.msk $0xffff, v3;
	v8 =	vand.u32 $0x3F, v14  }
0x161: {  	[tilespmem:v10+s29+$0x0] =	vst.idx.msk $0xffff, v4;
	v8 =	vor.u32 v8, v11  }
0x162: {  	[tilespmem:v9+s30+$0x0] =	vst.idx.msk $0xffff, v3  }
0x163: {  	[tilespmem:v12+s29+$0x0] =	vst.idx.msk $0xffff, v5  }
0x164: {  	[tilespmem:v7+s30+$0x0] =	vst.idx.msk $0xffff, v3  }
0x165: {  	[tilespmem:v14+s29+$0x0] =	vst.idx.msk $0xffff, v6  }
0x166: {  	[smem:$0x0] =	sst s0;
	[tilespmem:v8+s30+$0x0] =	vst.idx.msk $0xffff, v3  }
0x167: {  	[tilespmem:s3], [sflag:$0x5] =	stream.indirect.gather [hbm4b:s1+s31], $0x80, s29, s31, $0xb8;
	[tilespmem:$0x19E80] =	vst v63  }
.LBB2_14:
0x168: {  	s0 =	simm.s32 @!p0 $0x2  }
0x169: {  	_ =	swait.ge @!p0 [sflag:s0], $0x3E80  }
0x16a: {  	[sflag:s0] =	ssyncset.done @!p0 $0x0  }
0x16b: {  	[sflag:s0] =	ssyncadd.s32 @!p0 $0xFFFFC180  }
0x16c: {  	[bflag:$0x0] =	sbarrier.arrive $0xFFFF  }
0x16d: {  	_ =	swait.ge [sflag:s17], $0x2000  }
0x16e: {  	[sflag:s17] =	ssyncset.done $0x0  }
0x16f: {  	[sflag:s17] =	ssyncadd.s32 $0xFFFFE000  }
0x170: {  	[spmem:s6] =	stream.indirect.scatter.add.f32 [tilespmem:s13], [sflag:$0x7], $0x80, s26, s31, $0xb8;
	[tilespmem:$0x19E80] =	vst v63  }
0x171: {  	_ =	swait.ge [sflag:s28], $0x2000  }
0x172: {  	[sflag:s28] =	ssyncset.done $0x0  }
0x173: {  	[sflag:s28] =	ssyncadd.s32 $0xFFFFE000  }
0x174: {  	s19 =	sld [smem:$0x1];
	_ =	sdelay $0x2  }
0x175: {  	s0 =	sadd.s32 $0x3F, s19  }
0x176: {  	s4 =	sshra.s32 s0, $0x6  }
0x177: {  	p2 =	slt.s32 s4, $0x2  }
.Ltmp11:
0x178: {  	_ = 	snop;
	(pc) =	sbr.rel @p2 .LBB2_18-.Ltmp11, $1  }
0x179: {  	_ =	sdelay $0x3  }
0x17a: {  	s0 =	simm.s32 $0x14240;
	s12 =	sadd.s32 $0xFFFFFFFF, s4  }
0x17b: {  	[tilespmem:s13], [sflag:$0x7] =	stream.indirect.gather [hbm4b:s1+s31], $0x80, s0, s31, $0xb8;
	[tilespmem:$0x19E80] =	vst v63  }
0x17c: {  	p2 =	sne.s32 s12, $0x1;
	_ =	swait.ge [sflag:s28], $0x2000  }
.Ltmp12:
0x17d: {  	[sflag:s28] =	ssyncset.done $0x0;
	(pc) =	sbr.rel @!p2 .LBB2_17-.Ltmp12, $4  }
0x17e: {  	s4 =	simm.s32 $0x15300;
	[sflag:s28] =	ssyncadd.s32 $0xFFFFE000  }
0x17f: {  	[spmem:s6] =	stream.indirect.scatter.add.f32 [tilespmem:s13], [sflag:$0x7], $0x80, s4, s31, $0xb8;
	[tilespmem:$0x19E80] =	vst v63  }
0x180: {  	_ =	swait.ge [sflag:s28], $0x2000  }
0x181: {  	s19 =	sadd.s32 $0xFFFFFFFF, s12;
	[sflag:s28] =	ssyncset.done $0x0  }
.LBB2_16:
0x182: {  	[sflag:s28] =	ssyncadd.s32 $0xFFFFE000;
	s4 =	sadd.s32 $0x80, s4;
	s0 =	sadd.s32 $0x40, s0  }
0x183: {  	[tilespmem:s13], [sflag:$0x7] =	stream.indirect.gather [hbm4b:s1+s31], $0x80, s0, s31, $0xb8;
	[tilespmem:$0x19E80] =	vst v63  }
0x184: {  	p2 =	sne.s32 s19, $0x1;
	s19 =	sadd.s32 $0xFFFFFFFF, s19;
	_ =	swait.ge [sflag:s28], $0x2000  }
.Ltmp13:
0x185: {  	[sflag:s28] =	ssyncset.done $0x0;
	(pc) =	sbr.rel @p2 .LBB2_16-.Ltmp13, $4  }
0x186: {  	[sflag:s28] =	ssyncadd.s32 $0xFFFFE000  }
0x187: {  	[spmem:s6] =	stream.indirect.scatter.add.f32 [tilespmem:s13], [sflag:$0x7], $0x80, s4, s31, $0xb8;
	[tilespmem:$0x19E80] =	vst v63  }
0x188: {  	_ =	swait.ge [sflag:s28], $0x2000  }
0x189: {  	[sflag:s28] =	ssyncset.done $0x0  }
.LBB2_17:
0x18a: {  	[sflag:s28] =	ssyncadd.s32 $0xFFFFE000  }
.LBB2_18:
.Ltmp14:
0x18b: {  	(pc) =	sbr.rel @p0 .LBB2_21-.Ltmp14, $2  }
0x18c: {  	_ =	sdelay $0x1  }
0x18d: {  	[bflag:$0x0] =	sbarrier.arrive $0xFFFF;
	_ =	sdelay $0x1  }
0x18e: {  	s0 =	sadd.s32 s9, s11;
	s11 =	stileid.u32  }
0x18f: {  	s12 =	rddreg [dreg:$0x3];
	s4 =	sshll.u32 s0, $0x4;
	s0 =	sshll.u32 s11, $0x6  }
.Ltmp15:
0x190: {  	s4 =	sadd.s32 s12, s4;
	s19 =	sor.u32 $0x1C04, s0;
	(pc) =	sbr.rel @p1 .LBB2_22-.Ltmp15, $4  }
0x191: {  	[hbm:s4], [sflag:s19] =	dma.local [spmem:s24], $0x3E80  }
0x192: {  	_ =	swait.ge [sflag:s20], $0x3E80  }
0x193: {  	[sflag:s20] =	ssyncset.done $0x0  }
0x194: {  	[sflag:s20] =	ssyncadd.s32 $0xFFFFC180  }
0x195: {  	s2 =	sshll.u32 s2, $0x1  }
0x196: {  	s2 =	sor.u32 s7, s2  }
0x197: {  	s2 =	smul.u32 $0x1388, s2;
	_ =	sdelay $0x1  }
0x198: {  	s12 =	rddreg [dreg:$0x0];
	s2 =	sadd.s32 s9, s2  }
0x199: {  	s11 =	rddreg [dreg:$0x8];
	s2 =	sshll.u32 s2, $0x4  }
0x19a: {  	s4 =	sor.u32 $0x1C01, s0;
	s11 =	sshrl.u32 s11, $0x3;
	s2 =	sadd.s32 s12, s2  }
0x19b: {  	[spmem:s11], [sflag:s4] =	dma.local [hbm:s2], $0x3E80  }
0x19c: {  	s2 =	rddreg [dreg:$0xb]  }
0x19d: {  	s2 =	sadd.s32 s2, s25  }
0x19e: {  	s2 =	smul.u32 $0x1388, s2  }
.Ltmp16:
0x19f: {  	_ = 	snop;
	(pc) =	sbr.rel .LBB2_4-.Ltmp16, $4  }
0x1a0: {  	s19 =	sor.u32 $0x1C02, s0;
	_ =	swait.ge [sflag:s21], $0x3E80;
	s2 =	sadd.s32 s9, s2  }
0x1a1: {  	s22 =	sadd.s32 $0x1, s22;
	[sflag:s21] =	ssyncset.done $0x0;
	s2 =	sshll.u32 s2, $0x4  }
0x1a2: {  	s25 =	sshrl.u32 s15, $0x3;
	[sflag:s21] =	ssyncadd.s32 $0xFFFFC180;
	s2 =	sadd.s32 s12, s2  }
0x1a3: {  	[spmem:s25], [sflag:s19] =	dma.local [hbm:s2], $0x3E80  }
.LBB2_24:
0x1a4: {  	_ =	sfence.sel $0x180000  }
0x1a5: {  	[bflag:$0x0] =	sbarrier.arrive $0xFFFF  }
0x1a6: {  	_ =	strace $0x90000047  }
0x1a7: {  	s0 =	stileid.u32;
	[bflag:$0x2] =	sbarrier.arrive $0xFFFF  }
0x1a8: {  	p0 =	sne.s32 s0, $0x0;
	s0 =	rddreg [dreg:$0x6]  }
0x1a9: {  	s0 =	sadd.s32 @!p0 $0x100000, s0  }
0x1aa: {  	[sflag:s0] =	ssyncadd.tile.s32 @!p0 $0x1;
	_ =	shalt  }
.Lfunc_end2:
_tile_overlayer_lowered:
.L_overlay_start_2:
0x1ab: {  	(tag) =	ssettag $0x2  }
0x1ac: {  	s0 =	rddreg [dreg:$0x0];
	s2 =	stileid.u32  }
0x1ad: {  	s1 =	rddreg [dreg:$0x1];
	p0 =	sne.s32 s2, $0x0  }
0x1ae: {  	s3 =	rddreg [dreg:$0x2];
	[bflag:$0x3] =	sbarrier.arrive $0xFFFF;
	s2 =	simm.s32 @!p0 $0x1C07  }
0x1af: {  	[timem:s3], [sflag:s2] =	dma.local @!p0 [hbm:s0], s1  }
0x1b0: {  	s0 =	simm.s32 @!p0 $0x7  }
0x1b1: {  	_ =	swait.ge @!p0 [sflag:s0], s1  }
0x1b2: {  	s1 =	ssub.s32 @!p0 $0x0, s1;
	[sflag:s0] =	ssyncset.done @!p0 $0x0  }
0x1b3: {  	[sflag:s0] =	ssyncadd.s32 @!p0 s1  }
0x1b4: {  	[bflag:$0x3] =	sbarrier.arrive $0xFFFF  }
0x1b5: {  	_ =	shalt  }

</sc_bundles>
